<compile_context>
chip_gen: v7x
topology: tpu7x:2x2x1
jax: 0.10.2.dev20260603
libtpu: 0.0.44.dev20260713+nightly
codegen_flags: <defaults>
</compile_context>

<pallas_src>
import functools

import numpy as np
import jax
import jax.numpy as jnp
from jax import lax
from jax.experimental import pallas as pl
from jax.experimental.pallas import tpu as pltpu
from jax.experimental.pallas import tpu_sc as plsc

N_RAYS = 4096
N_SAMPLES = 262144
HIDDEN = 128
L_FREQ = 6
D_IN = 3 + 3 * 2 * L_FREQ

LANES = 16
NC = 2
NS = 16
NW = NC * NS
CHUNK = N_SAMPLES // NW
GROUPS = CHUNK // LANES
RAYS_PER_W = N_RAYS // NW

D_PE = 56
BLK = 65536

_SIN_C3 = -0.16665682
_SIN_C5 = 0.0083123785
_SIN_C7 = -1.8492564e-4
_PI_F32 = 3.14159265358979
_INV_PI = 0.3183098861837907


def _fast_sin(a):
    n = jnp.floor(a * _INV_PI + 0.5)
    r = a - n * _PI_F32
    r2 = r * r
    p = _SIN_C7
    p = p * r2 + _SIN_C5
    p = p * r2 + _SIN_C3
    s = (p * r2) * r + r
    sbits = lax.shift_left(n.astype(jnp.int32), 31)
    return lax.bitcast_convert_type(
        lax.bitcast_convert_type(s, jnp.int32) ^ sbits, jnp.float32)


_PH8_CONST = np.array(
    [[0.0], [0.0], [0.0], [0.0],
     [np.pi / 2], [np.pi / 2], [np.pi / 2], [0.0]], np.float32)



def _tc_mlp_body(pos_ref, ph_ref, w1_ref, w2_ref, b2_ref,
                 w3_ref, b3_ref, out_ref):
    P = pos_ref[...]
    row8 = lax.broadcasted_iota(jnp.int32, (8, BLK), 0)
    ph8 = ph_ref[...]
    xyz = jnp.where(row8 < 3, P, 0.0)
    E0 = jnp.where(row8 < 4,
                   jnp.where(row8 < 3, P, 1.0), 0.0)
    A = xyz + jnp.roll(xyz, 4, axis=0) + ph8
    groups = [E0, _fast_sin(A)]
    for _ in range(L_FREQ - 1):
        G = groups[-1]
        Grot = jnp.roll(G, 4, axis=0)
        SS = G * Grot
        C = 1.0 - (G + G) * G
        X = jnp.where(row8 < 4, C, SS + SS)
        groups.append(jnp.roll(X, 4, axis=0))
    E = jnp.concatenate(groups, axis=0)
    h = jnp.maximum(
        jnp.dot(w1_ref[...], E.astype(jnp.bfloat16),
                preferred_element_type=jnp.float32).astype(jnp.bfloat16),
        jnp.bfloat16(0.0))
    h = jnp.maximum(
        jnp.dot(w2_ref[...], h,
                preferred_element_type=jnp.float32).astype(jnp.bfloat16)
        + b2_ref[...], jnp.bfloat16(0.0))
    z8 = jnp.dot(w3_ref[...], h, preferred_element_type=jnp.float32)
    z = z8[0:1, :] + b3_ref[...]
    sp = jnp.maximum(z, 0.0) + jnp.log(1.0 + jnp.exp(-jnp.abs(z)))
    out_ref[...] = sp * P[3:4, :]


def _tc_mlp(posP, ph8, W1t, W2t, b2c, W3r, b3c):
    grid = (N_SAMPLES // BLK,)
    return pl.pallas_call(
        _tc_mlp_body,
        grid=grid,
        in_specs=[
            pl.BlockSpec((8, BLK), lambda i: (0, i)),
            pl.BlockSpec((8, 1), lambda i: (0, 0)),
            pl.BlockSpec((HIDDEN, D_PE), lambda i: (0, 0)),
            pl.BlockSpec((HIDDEN, HIDDEN), lambda i: (0, 0)),
            pl.BlockSpec((HIDDEN, 1), lambda i: (0, 0)),
            pl.BlockSpec((8, HIDDEN), lambda i: (0, 0)),
            pl.BlockSpec((1, 1), lambda i: (0, 0)),
        ],
        out_specs=pl.BlockSpec((1, BLK), lambda i: (0, i)),
        out_shape=jax.ShapeDtypeStruct((1, N_SAMPLES), jnp.float32),
    )(posP, ph8, W1t, W2t, b2c, W3r, b3c)



@functools.cache
def _sc_kernels():
    mesh = plsc.VectorSubcoreMesh(core_axis_name="c", subcore_axis_name="s")

    @functools.partial(
        pl.kernel,
        out_type=jax.ShapeDtypeStruct((8, N_SAMPLES), jnp.float32),
        mesh=mesh,
        compiler_params=pltpu.CompilerParams(needs_layout_passes=False),
        scratch_types=[
            pltpu.VMEM((N_RAYS,), jnp.float32),
            pltpu.VMEM((N_RAYS,), jnp.float32),
            pltpu.VMEM((N_RAYS,), jnp.float32),
            pltpu.VMEM((N_RAYS,), jnp.float32),
            pltpu.VMEM((N_RAYS,), jnp.float32),
            pltpu.VMEM((N_RAYS,), jnp.float32),
            pltpu.VMEM((CHUNK,), jnp.int32),
            pltpu.VMEM((CHUNK,), jnp.float32),
            pltpu.VMEM((CHUNK,), jnp.float32),
            pltpu.VMEM((CHUNK,), jnp.float32),
            pltpu.VMEM((CHUNK,), jnp.float32),
            pltpu.VMEM((CHUNK,), jnp.float32),
            pltpu.VMEM((CHUNK,), jnp.float32),
            pltpu.SemaphoreType.DMA,
        ],
    )
    def sc_gather(ox_h, oy_h, oz_h, dx_h, dy_h, dz_h, ri_h, ts_h, te_h,
                  pos_h, ox_v, oy_v, oz_v, dx_v, dy_v, dz_v, ri_v, ts_v,
                  te_v, px_v, py_v, pz_v, dl_v, sem):
        wid = lax.axis_index("s") * NC + lax.axis_index("c")
        base = wid * CHUNK
        cps = [
            pltpu.async_copy(ox_h, ox_v, sem),
            pltpu.async_copy(oy_h, oy_v, sem),
            pltpu.async_copy(oz_h, oz_v, sem),
            pltpu.async_copy(dx_h, dx_v, sem),
            pltpu.async_copy(dy_h, dy_v, sem),
            pltpu.async_copy(dz_h, dz_v, sem),
            pltpu.async_copy(ri_h.at[pl.ds(base, CHUNK)], ri_v, sem),
            pltpu.async_copy(ts_h.at[pl.ds(base, CHUNK)], ts_v, sem),
            pltpu.async_copy(te_h.at[pl.ds(base, CHUNK)], te_v, sem),
        ]
        for cp in cps:
            cp.wait()

        def body(g):
            o = g * LANES
            idx = ri_v[pl.ds(o, LANES)]
            tsv = ts_v[pl.ds(o, LANES)]
            tev = te_v[pl.ds(o, LANES)]
            tm = (tsv + tev) * 0.5
            px_v[pl.ds(o, LANES)] = jnp.clip(
                plsc.load_gather(ox_v, [idx])
                + plsc.load_gather(dx_v, [idx]) * tm, -1.0, 1.0)
            py_v[pl.ds(o, LANES)] = jnp.clip(
                plsc.load_gather(oy_v, [idx])
                + plsc.load_gather(dy_v, [idx]) * tm, -1.0, 1.0)
            pz_v[pl.ds(o, LANES)] = jnp.clip(
                plsc.load_gather(oz_v, [idx])
                + plsc.load_gather(dz_v, [idx]) * tm, -1.0, 1.0)
            dl_v[pl.ds(o, LANES)] = tev - tsv

        plsc.parallel_loop(0, GROUPS, 1, unroll=4)(body)
        ops = [
            pltpu.async_copy(px_v, pos_h.at[0, pl.ds(base, CHUNK)], sem),
            pltpu.async_copy(py_v, pos_h.at[1, pl.ds(base, CHUNK)], sem),
            pltpu.async_copy(pz_v, pos_h.at[2, pl.ds(base, CHUNK)], sem),
            pltpu.async_copy(dl_v, pos_h.at[3, pl.ds(base, CHUNK)], sem),
        ]
        for cp in ops:
            cp.wait()

    @functools.partial(
        pl.kernel,
        out_type=jax.ShapeDtypeStruct((NW, N_RAYS), jnp.float32),
        mesh=mesh,
        compiler_params=pltpu.CompilerParams(needs_layout_passes=False),
        scratch_types=[
            pltpu.VMEM((1, CHUNK), jnp.float32),
            pltpu.VMEM((CHUNK,), jnp.int32),
            pltpu.VMEM((N_RAYS,), jnp.float32),
            pltpu.SemaphoreType.DMA,
        ],
    )
    def sc_segsum(sd_h, ri_h, part_h, sd_v, ri_v, acc_v, sem):
        wid = lax.axis_index("s") * NC + lax.axis_index("c")
        base = wid * CHUNK
        cps = [
            pltpu.async_copy(sd_h.at[:, pl.ds(base, CHUNK)], sd_v, sem),
            pltpu.async_copy(ri_h.at[pl.ds(base, CHUNK)], ri_v, sem),
        ]
        zero = jnp.zeros((LANES,), jnp.float32)

        def zbody(i, c):
            o = i * (LANES * 8)
            for u in range(8):
                acc_v[pl.ds(o + u * LANES, LANES)] = zero
            return c

        lax.fori_loop(0, N_RAYS // (LANES * 8), zbody, 0)
        for cp in cps:
            cp.wait()
        def body(g, c):
            o = g * LANES
            idx = ri_v[pl.ds(o, LANES)]
            v = sd_v[0, pl.ds(o, LANES)]
            plsc.addupdate_scatter(acc_v, [idx], v)
            return c

        lax.fori_loop(0, GROUPS, body, 0, unroll=4)
        pltpu.sync_copy(acc_v, part_h.at[wid])

    @functools.partial(
        pl.kernel,
        out_type=jax.ShapeDtypeStruct((N_RAYS,), jnp.float32),
        mesh=mesh,
        compiler_params=pltpu.CompilerParams(needs_layout_passes=False),
        scratch_types=[
            pltpu.VMEM((NW, RAYS_PER_W), jnp.float32),
            pltpu.VMEM((RAYS_PER_W,), jnp.float32),
        ],
    )
    def sc_finalize(part_h, opac_h, pv, ov):
        wid = lax.axis_index("s") * NC + lax.axis_index("c")
        rbase = wid * RAYS_PER_W
        pltpu.sync_copy(part_h.at[:, pl.ds(rbase, RAYS_PER_W)], pv)

        def body(k, c):
            o = k * LANES
            a = pv[0, pl.ds(o, LANES)]
            for t in range(1, NW):
                a = a + pv[t, pl.ds(o, LANES)]
            ov[pl.ds(o, LANES)] = 1.0 - jnp.exp(-a)
            return c

        lax.fori_loop(0, RAYS_PER_W // LANES, body, 0)
        pltpu.sync_copy(ov, opac_h.at[pl.ds(rbase, RAYS_PER_W)])

    return sc_gather, sc_segsum, sc_finalize



def kernel(rays_o, rays_d, t_starts, t_ends, ray_indices, W1, b1, W2, b2,
           W3, b3):
    sc_gather, sc_segsum, sc_finalize = _sc_kernels()

    d = rays_d / (jnp.linalg.norm(rays_d, axis=-1, keepdims=True) + 1e-8)
    posP = sc_gather(
        rays_o[:, 0], rays_o[:, 1], rays_o[:, 2],
        d[:, 0], d[:, 1], d[:, 2],
        ray_indices, t_starts, t_ends)

    perm_src = []
    perm_dst = []
    for c in range(3):
        perm_src.append(c)
        perm_dst.append(c)
    for l in range(L_FREQ):
        for c in range(3):
            perm_src.append(3 + 6 * l + c)
            perm_dst.append(8 + 8 * l + c)
            perm_src.append(6 + 6 * l + c)
            perm_dst.append(8 + 8 * l + 4 + c)
    W1t = (jnp.zeros((HIDDEN, D_PE), jnp.float32)
           .at[:, jnp.asarray(perm_dst)].set(W1.T[:, jnp.asarray(perm_src)])
           .at[:, 3].set(b1).astype(jnp.bfloat16))
    W2t = W2.T.astype(jnp.bfloat16)
    W3r = (jnp.zeros((8, HIDDEN), jnp.float32).at[0, :].set(W3[:, 0])
           .astype(jnp.bfloat16))
    sd = _tc_mlp(posP, jnp.asarray(_PH8_CONST), W1t, W2t,
                 b2.reshape(HIDDEN, 1).astype(jnp.bfloat16), W3r,
                 b3.reshape(1, 1))

    part = sc_segsum(sd, ray_indices)
    opac = sc_finalize(part)
    return opac.reshape(N_RAYS, 1)

# --- scband reference (transcript-rebuilt; emitter-appended) ---
"""Pipeline reference for scband-ne-rfrenderer-81329500717182 (READ-ONLY COPY).

The authoritative reference and input builder live on the scoring server;
editing this copy changes nothing except your own understanding.
"""

import jax, jax.numpy as jnp
import numpy as np

N_RAYS = 4096
N_SAMPLES = 262144
HIDDEN = 128
L_FREQ = 6
DENSITY_SCALE = 1.0
D_IN = 3 + 3 * 2 * L_FREQ


def posenc(x):
    freqs = 2.0 ** jnp.arange(L_FREQ, dtype=jnp.float32)
    xb = x[:, None, :] * freqs[None, :, None]  # [N, L, 3]
    enc = jnp.concatenate([jnp.sin(xb), jnp.cos(xb)], axis=-1).reshape(x.shape[0], -1)
    return jnp.concatenate([x, enc], axis=-1)  # [N, 3 + 6L]


def setup_inputs(seed: int = 0) -> dict:
    key = jax.random.key(seed)
    ks = jax.random.split(key, 12)
    rays_o = jax.random.normal(ks[0], (N_RAYS, 3), dtype=jnp.float32) * 0.1
    rays_d = jax.random.normal(ks[1], (N_RAYS, 3), dtype=jnp.float32)
    t_starts = jax.random.uniform(ks[2], (N_SAMPLES,), dtype=jnp.float32, minval=0.2, maxval=2.0)
    t_ends = t_starts + 0.005 + 0.01 * jax.random.uniform(ks[3], (N_SAMPLES,), dtype=jnp.float32)
    ray_indices = jnp.sort(jax.random.randint(ks[4], (N_SAMPLES,), 0, N_RAYS)).astype(jnp.int32)
    W1 = jax.random.normal(ks[5], (D_IN, HIDDEN), dtype=jnp.float32) / np.sqrt(D_IN)
    b1 = jnp.zeros((HIDDEN,), dtype=jnp.float32)
    W2 = jax.random.normal(ks[6], (HIDDEN, HIDDEN), dtype=jnp.float32) / np.sqrt(HIDDEN)
    b2 = jnp.zeros((HIDDEN,), dtype=jnp.float32)
    W3 = jax.random.normal(ks[7], (HIDDEN, 1), dtype=jnp.float32) / np.sqrt(HIDDEN)
    b3 = jnp.zeros((1,), dtype=jnp.float32)
    return {"rays_o": rays_o, "rays_d": rays_d, "t_starts": t_starts, "t_ends": t_ends,
            "ray_indices": ray_indices, "W1": W1, "b1": b1, "W2": W2, "b2": b2, "W3": W3, "b3": b3}


def reference(rays_o, rays_d, t_starts, t_ends, ray_indices, W1, b1, W2, b2, W3, b3):
    # normalize ray directions
    d = rays_d / (jnp.linalg.norm(rays_d, axis=-1, keepdims=True) + 1e-8)
    # gather ragged sample positions (nerfacc-style: sorted ray_indices)
    t_mid = (t_starts + t_ends) * 0.5
    positions = rays_o[ray_indices] + d[ray_indices] * t_mid[:, None]
    positions = jnp.clip(positions, -1.0, 1.0)  # if_do_bound_clamp
    # density MLP (sigma_fn)
    h = posenc(positions)
    h = jax.nn.relu(h @ W1 + b1)
    h = jax.nn.relu(h @ W2 + b2)
    sigmas = jax.nn.softplus((h @ W3 + b3)[:, 0]) * DENSITY_SCALE
    # render_weight_from_density: per-ray exclusive cumsum of sigma*delta
    deltas = t_ends - t_starts
    sd = sigmas * deltas
    cs = jnp.cumsum(sd)
    excl = cs - sd
    # segment start offset: excl is non-decreasing, so segment-min is the first element per ray
    seg_offset = jax.ops.segment_min(excl, ray_indices, num_segments=N_RAYS)
    trans = jnp.exp(-(excl - seg_offset[ray_indices]))
    alpha = 1.0 - jnp.exp(-sd)
    weights = trans * alpha
    # accumulate_along_rays (values=None -> opacity)
    opacities = jax.ops.segment_sum(weights, ray_indices, num_segments=N_RAYS)[:, None]
    return opacities

if __name__ == "__main__":
    import jax
    _d = setup_inputs()
    print(jax.jit(kernel)(*tuple(_d.values())))

</pallas_src>

<mosaic_0001>
#map = affine_map<(d0, d1) -> (0, 0)>
#map1 = affine_map<(d0, d1) -> (0)>
module attributes {stable_mosaic.version = 14 : i64} {
  func.func @sc_finalize(%arg0: i32, %arg1: i32, %arg2: memref<32x4096xf32, #tpu.memory_space<hbm>>, %arg3: memref<4096xf32, #tpu.memory_space<hbm>>, %arg4: memref<32x128xf32, #tpu.memory_space<vmem>>, %arg5: memref<128xf32, #tpu.memory_space<vmem>>) attributes {dimension_semantics = [#tpu.dimension_semantics<core_parallel>, #tpu.dimension_semantics<subcore_parallel>], iteration_bounds = array<i64: 2, 16>, scalar_prefetch = 0 : i64, scratch_operands = 2 : i64, tpu.core_type = #tpu.core_type<sc_vector_subcore>, window_params = [{transform_indices = #map}, {transform_indices = #map1}]} {
    %mul3A = arith.constant 2 : i32
    %mul3A_0 = arith.muli %arg1, %mul3A : i32
    %add3A = arith.addi %mul3A_0, %arg0 : i32
    %mul3A_1 = arith.constant 128 : i32
    %mul3A_2 = arith.muli %add3A, %mul3A_1 : i32
    "tpu.region"() ({
      %run_scoped3A = tpu.sem_alloc : memref<!tpu.dma_semaphore, #tpu.memory_space<semaphore_mem>>
      %dma_start3A = arith.constant 0 : i32
      %dma_start3A_8 = tpu.memref_slice %arg2[%dma_start3A, %mul3A_2] : memref<32x4096xf32, #tpu.memory_space<hbm>> -> memref<32x128xf32, #tpu.memory_space<hbm>>
      %dma_start3A_9 = arith.constant 0 : i32
      %dma_start3A_10 = tpu.memref_slice %arg2[%dma_start3A_9, %mul3A_2] : memref<32x4096xf32, #tpu.memory_space<hbm>> -> memref<32x128xf32, #tpu.memory_space<hbm>>
      tpu.enqueue_dma source(%dma_start3A_10 : memref<32x128xf32, #tpu.memory_space<hbm>>) target(%arg4 : memref<32x128xf32, #tpu.memory_space<vmem>>) target_semaphore(%run_scoped3A : memref<!tpu.dma_semaphore, #tpu.memory_space<semaphore_mem>>)
      %dma_wait3A = arith.constant 0 : i32
      %dma_wait3A_11 = tpu.memref_slice %arg2[%dma_wait3A, %mul3A_2] : memref<32x4096xf32, #tpu.memory_space<hbm>> -> memref<32x128xf32, #tpu.memory_space<hbm>>
      %dma_wait3A_12 = arith.constant 0 : i32
      %dma_wait3A_13 = tpu.memref_slice %arg2[%dma_wait3A_12, %mul3A_2] : memref<32x4096xf32, #tpu.memory_space<hbm>> -> memref<32x128xf32, #tpu.memory_space<hbm>>
      tpu.wait_dma2 semaphore(%run_scoped3A : memref<!tpu.dma_semaphore, #tpu.memory_space<semaphore_mem>>) src(%dma_wait3A_13 : memref<32x128xf32, #tpu.memory_space<hbm>>) dst(%arg4 : memref<32x128xf32, #tpu.memory_space<vmem>>)
      tpu.yield
    }) : () -> ()
    %scan3A = arith.constant 0 : i32
    %scan3A_3 = arith.constant 0 : i32
    %scan3A_4 = arith.constant 8 : i32
    %scan3A_5 = arith.addi %scan3A_3, %scan3A_4 : i32
    %scan3A_6 = arith.constant 1 : i32
    scf.for %scan3A_8 = %scan3A_3 to %scan3A_5 step %scan3A_6  : i32 {
      %mul3A_9 = arith.constant 16 : i32
      %mul3A_10 = arith.muli %scan3A_8, %mul3A_9 : i32
      %get3A = arith.constant 0 : i32
      %get3A_11 = arith.index_cast %get3A : i32 to index
      %get3A_12 = arith.index_cast %mul3A_10 : i32 to index
      %get3A_13 = tpu.vector_load %arg4[%get3A_11, %get3A_12] {strides = array<i32>} : memref<32x128xf32, #tpu.memory_space<vmem>>, vector<16xf32>,
      %get3A_14 = arith.constant 1 : i32
      %get3A_15 = arith.index_cast %get3A_14 : i32 to index
      %get3A_16 = arith.index_cast %mul3A_10 : i32 to index
      %get3A_17 = tpu.vector_load %arg4[%get3A_15, %get3A_16] {strides = array<i32>} : memref<32x128xf32, #tpu.memory_space<vmem>>, vector<16xf32>,
      %add3A_18 = arith.addf %get3A_13, %get3A_17 : vector<16xf32>
      %get3A_19 = arith.constant 2 : i32
      %get3A_20 = arith.index_cast %get3A_19 : i32 to index
      %get3A_21 = arith.index_cast %mul3A_10 : i32 to index
      %get3A_22 = tpu.vector_load %arg4[%get3A_20, %get3A_21] {strides = array<i32>} : memref<32x128xf32, #tpu.memory_space<vmem>>, vector<16xf32>,
      %add3A_23 = arith.addf %add3A_18, %get3A_22 : vector<16xf32>
      %get3A_24 = arith.constant 3 : i32
      %get3A_25 = arith.index_cast %get3A_24 : i32 to index
      %get3A_26 = arith.index_cast %mul3A_10 : i32 to index
      %get3A_27 = tpu.vector_load %arg4[%get3A_25, %get3A_26] {strides = array<i32>} : memref<32x128xf32, #tpu.memory_space<vmem>>, vector<16xf32>,
      %add3A_28 = arith.addf %add3A_23, %get3A_27 : vector<16xf32>
      %get3A_29 = arith.constant 4 : i32
      %get3A_30 = arith.index_cast %get3A_29 : i32 to index
      %get3A_31 = arith.index_cast %mul3A_10 : i32 to index
      %get3A_32 = tpu.vector_load %arg4[%get3A_30, %get3A_31] {strides = array<i32>} : memref<32x128xf32, #tpu.memory_space<vmem>>, vector<16xf32>,
      %add3A_33 = arith.addf %add3A_28, %get3A_32 : vector<16xf32>
      %get3A_34 = arith.constant 5 : i32
      %get3A_35 = arith.index_cast %get3A_34 : i32 to index
      %get3A_36 = arith.index_cast %mul3A_10 : i32 to index
      %get3A_37 = tpu.vector_load %arg4[%get3A_35, %get3A_36] {strides = array<i32>} : memref<32x128xf32, #tpu.memory_space<vmem>>, vector<16xf32>,
      %add3A_38 = arith.addf %add3A_33, %get3A_37 : vector<16xf32>
      %get3A_39 = arith.constant 6 : i32
      %get3A_40 = arith.index_cast %get3A_39 : i32 to index
      %get3A_41 = arith.index_cast %mul3A_10 : i32 to index
      %get3A_42 = tpu.vector_load %arg4[%get3A_40, %get3A_41] {strides = array<i32>} : memref<32x128xf32, #tpu.memory_space<vmem>>, vector<16xf32>,
      %add3A_43 = arith.addf %add3A_38, %get3A_42 : vector<16xf32>
      %get3A_44 = arith.constant 7 : i32
      %get3A_45 = arith.index_cast %get3A_44 : i32 to index
      %get3A_46 = arith.index_cast %mul3A_10 : i32 to index
      %get3A_47 = tpu.vector_load %arg4[%get3A_45, %get3A_46] {strides = array<i32>} : memref<32x128xf32, #tpu.memory_space<vmem>>, vector<16xf32>,
      %add3A_48 = arith.addf %add3A_43, %get3A_47 : vector<16xf32>
      %get3A_49 = arith.constant 8 : i32
      %get3A_50 = arith.index_cast %get3A_49 : i32 to index
      %get3A_51 = arith.index_cast %mul3A_10 : i32 to index
      %get3A_52 = tpu.vector_load %arg4[%get3A_50, %get3A_51] {strides = array<i32>} : memref<32x128xf32, #tpu.memory_space<vmem>>, vector<16xf32>,
      %add3A_53 = arith.addf %add3A_48, %get3A_52 : vector<16xf32>
      %get3A_54 = arith.constant 9 : i32
      %get3A_55 = arith.index_cast %get3A_54 : i32 to index
      %get3A_56 = arith.index_cast %mul3A_10 : i32 to index
      %get3A_57 = tpu.vector_load %arg4[%get3A_55, %get3A_56] {strides = array<i32>} : memref<32x128xf32, #tpu.memory_space<vmem>>, vector<16xf32>,
      %add3A_58 = arith.addf %add3A_53, %get3A_57 : vector<16xf32>
      %get3A_59 = arith.constant 10 : i32
      %get3A_60 = arith.index_cast %get3A_59 : i32 to index
      %get3A_61 = arith.index_cast %mul3A_10 : i32 to index
      %get3A_62 = tpu.vector_load %arg4[%get3A_60, %get3A_61] {strides = array<i32>} : memref<32x128xf32, #tpu.memory_space<vmem>>, vector<16xf32>,
      %add3A_63 = arith.addf %add3A_58, %get3A_62 : vector<16xf32>
      %get3A_64 = arith.constant 11 : i32
      %get3A_65 = arith.index_cast %get3A_64 : i32 to index
      %get3A_66 = arith.index_cast %mul3A_10 : i32 to index
      %get3A_67 = tpu.vector_load %arg4[%get3A_65, %get3A_66] {strides = array<i32>} : memref<32x128xf32, #tpu.memory_space<vmem>>, vector<16xf32>,
      %add3A_68 = arith.addf %add3A_63, %get3A_67 : vector<16xf32>
      %get3A_69 = arith.constant 12 : i32
      %get3A_70 = arith.index_cast %get3A_69 : i32 to index
      %get3A_71 = arith.index_cast %mul3A_10 : i32 to index
      %get3A_72 = tpu.vector_load %arg4[%get3A_70, %get3A_71] {strides = array<i32>} : memref<32x128xf32, #tpu.memory_space<vmem>>, vector<16xf32>,
      %add3A_73 = arith.addf %add3A_68, %get3A_72 : vector<16xf32>
      %get3A_74 = arith.constant 13 : i32
      %get3A_75 = arith.index_cast %get3A_74 : i32 to index
      %get3A_76 = arith.index_cast %mul3A_10 : i32 to index
      %get3A_77 = tpu.vector_load %arg4[%get3A_75, %get3A_76] {strides = array<i32>} : memref<32x128xf32, #tpu.memory_space<vmem>>, vector<16xf32>,
      %add3A_78 = arith.addf %add3A_73, %get3A_77 : vector<16xf32>
      %get3A_79 = arith.constant 14 : i32
      %get3A_80 = arith.index_cast %get3A_79 : i32 to index
      %get3A_81 = arith.index_cast %mul3A_10 : i32 to index
      %get3A_82 = tpu.vector_load %arg4[%get3A_80, %get3A_81] {strides = array<i32>} : memref<32x128xf32, #tpu.memory_space<vmem>>, vector<16xf32>,
      %add3A_83 = arith.addf %add3A_78, %get3A_82 : vector<16xf32>
      %get3A_84 = arith.constant 15 : i32
      %get3A_85 = arith.index_cast %get3A_84 : i32 to index
      %get3A_86 = arith.index_cast %mul3A_10 : i32 to index
      %get3A_87 = tpu.vector_load %arg4[%get3A_85, %get3A_86] {strides = array<i32>} : memref<32x128xf32, #tpu.memory_space<vmem>>, vector<16xf32>,
      %add3A_88 = arith.addf %add3A_83, %get3A_87 : vector<16xf32>
      %get3A_89 = arith.constant 16 : i32
      %get3A_90 = arith.index_cast %get3A_89 : i32 to index
      %get3A_91 = arith.index_cast %mul3A_10 : i32 to index
      %get3A_92 = tpu.vector_load %arg4[%get3A_90, %get3A_91] {strides = array<i32>} : memref<32x128xf32, #tpu.memory_space<vmem>>, vector<16xf32>,
      %add3A_93 = arith.addf %add3A_88, %get3A_92 : vector<16xf32>
      %get3A_94 = arith.constant 17 : i32
      %get3A_95 = arith.index_cast %get3A_94 : i32 to index
      %get3A_96 = arith.index_cast %mul3A_10 : i32 to index
      %get3A_97 = tpu.vector_load %arg4[%get3A_95, %get3A_96] {strides = array<i32>} : memref<32x128xf32, #tpu.memory_space<vmem>>, vector<16xf32>,
      %add3A_98 = arith.addf %add3A_93, %get3A_97 : vector<16xf32>
      %get3A_99 = arith.constant 18 : i32
      %get3A_100 = arith.index_cast %get3A_99 : i32 to index
      %get3A_101 = arith.index_cast %mul3A_10 : i32 to index
      %get3A_102 = tpu.vector_load %arg4[%get3A_100, %get3A_101] {strides = array<i32>} : memref<32x128xf32, #tpu.memory_space<vmem>>, vector<16xf32>,
      %add3A_103 = arith.addf %add3A_98, %get3A_102 : vector<16xf32>
      %get3A_104 = arith.constant 19 : i32
      %get3A_105 = arith.index_cast %get3A_104 : i32 to index
      %get3A_106 = arith.index_cast %mul3A_10 : i32 to index
      %get3A_107 = tpu.vector_load %arg4[%get3A_105, %get3A_106] {strides = array<i32>} : memref<32x128xf32, #tpu.memory_space<vmem>>, vector<16xf32>,
      %add3A_108 = arith.addf %add3A_103, %get3A_107 : vector<16xf32>
      %get3A_109 = arith.constant 20 : i32
      %get3A_110 = arith.index_cast %get3A_109 : i32 to index
      %get3A_111 = arith.index_cast %mul3A_10 : i32 to index
      %get3A_112 = tpu.vector_load %arg4[%get3A_110, %get3A_111] {strides = array<i32>} : memref<32x128xf32, #tpu.memory_space<vmem>>, vector<16xf32>,
      %add3A_113 = arith.addf %add3A_108, %get3A_112 : vector<16xf32>
      %get3A_114 = arith.constant 21 : i32
      %get3A_115 = arith.index_cast %get3A_114 : i32 to index
      %get3A_116 = arith.index_cast %mul3A_10 : i32 to index
      %get3A_117 = tpu.vector_load %arg4[%get3A_115, %get3A_116] {strides = array<i32>} : memref<32x128xf32, #tpu.memory_space<vmem>>, vector<16xf32>,
      %add3A_118 = arith.addf %add3A_113, %get3A_117 : vector<16xf32>
      %get3A_119 = arith.constant 22 : i32
      %get3A_120 = arith.index_cast %get3A_119 : i32 to index
      %get3A_121 = arith.index_cast %mul3A_10 : i32 to index
      %get3A_122 = tpu.vector_load %arg4[%get3A_120, %get3A_121] {strides = array<i32>} : memref<32x128xf32, #tpu.memory_space<vmem>>, vector<16xf32>,
      %add3A_123 = arith.addf %add3A_118, %get3A_122 : vector<16xf32>
      %get3A_124 = arith.constant 23 : i32
      %get3A_125 = arith.index_cast %get3A_124 : i32 to index
      %get3A_126 = arith.index_cast %mul3A_10 : i32 to index
      %get3A_127 = tpu.vector_load %arg4[%get3A_125, %get3A_126] {strides = array<i32>} : memref<32x128xf32, #tpu.memory_space<vmem>>, vector<16xf32>,
      %add3A_128 = arith.addf %add3A_123, %get3A_127 : vector<16xf32>
      %get3A_129 = arith.constant 24 : i32
      %get3A_130 = arith.index_cast %get3A_129 : i32 to index
      %get3A_131 = arith.index_cast %mul3A_10 : i32 to index
      %get3A_132 = tpu.vector_load %arg4[%get3A_130, %get3A_131] {strides = array<i32>} : memref<32x128xf32, #tpu.memory_space<vmem>>, vector<16xf32>,
      %add3A_133 = arith.addf %add3A_128, %get3A_132 : vector<16xf32>
      %get3A_134 = arith.constant 25 : i32
      %get3A_135 = arith.index_cast %get3A_134 : i32 to index
      %get3A_136 = arith.index_cast %mul3A_10 : i32 to index
      %get3A_137 = tpu.vector_load %arg4[%get3A_135, %get3A_136] {strides = array<i32>} : memref<32x128xf32, #tpu.memory_space<vmem>>, vector<16xf32>,
      %add3A_138 = arith.addf %add3A_133, %get3A_137 : vector<16xf32>
      %get3A_139 = arith.constant 26 : i32
      %get3A_140 = arith.index_cast %get3A_139 : i32 to index
      %get3A_141 = arith.index_cast %mul3A_10 : i32 to index
      %get3A_142 = tpu.vector_load %arg4[%get3A_140, %get3A_141] {strides = array<i32>} : memref<32x128xf32, #tpu.memory_space<vmem>>, vector<16xf32>,
      %add3A_143 = arith.addf %add3A_138, %get3A_142 : vector<16xf32>
      %get3A_144 = arith.constant 27 : i32
      %get3A_145 = arith.index_cast %get3A_144 : i32 to index
      %get3A_146 = arith.index_cast %mul3A_10 : i32 to index
      %get3A_147 = tpu.vector_load %arg4[%get3A_145, %get3A_146] {strides = array<i32>} : memref<32x128xf32, #tpu.memory_space<vmem>>, vector<16xf32>,
      %add3A_148 = arith.addf %add3A_143, %get3A_147 : vector<16xf32>
      %get3A_149 = arith.constant 28 : i32
      %get3A_150 = arith.index_cast %get3A_149 : i32 to index
      %get3A_151 = arith.index_cast %mul3A_10 : i32 to index
      %get3A_152 = tpu.vector_load %arg4[%get3A_150, %get3A_151] {strides = array<i32>} : memref<32x128xf32, #tpu.memory_space<vmem>>, vector<16xf32>,
      %add3A_153 = arith.addf %add3A_148, %get3A_152 : vector<16xf32>
      %get3A_154 = arith.constant 29 : i32
      %get3A_155 = arith.index_cast %get3A_154 : i32 to index
      %get3A_156 = arith.index_cast %mul3A_10 : i32 to index
      %get3A_157 = tpu.vector_load %arg4[%get3A_155, %get3A_156] {strides = array<i32>} : memref<32x128xf32, #tpu.memory_space<vmem>>, vector<16xf32>,
      %add3A_158 = arith.addf %add3A_153, %get3A_157 : vector<16xf32>
      %get3A_159 = arith.constant 30 : i32
      %get3A_160 = arith.index_cast %get3A_159 : i32 to index
      %get3A_161 = arith.index_cast %mul3A_10 : i32 to index
      %get3A_162 = tpu.vector_load %arg4[%get3A_160, %get3A_161] {strides = array<i32>} : memref<32x128xf32, #tpu.memory_space<vmem>>, vector<16xf32>,
      %add3A_163 = arith.addf %add3A_158, %get3A_162 : vector<16xf32>
      %get3A_164 = arith.constant 31 : i32
      %get3A_165 = arith.index_cast %get3A_164 : i32 to index
      %get3A_166 = arith.index_cast %mul3A_10 : i32 to index
      %get3A_167 = tpu.vector_load %arg4[%get3A_165, %get3A_166] {strides = array<i32>} : memref<32x128xf32, #tpu.memory_space<vmem>>, vector<16xf32>,
      %add3A_168 = arith.addf %add3A_163, %get3A_167 : vector<16xf32>
      %neg3A = arith.constant 0.000000e+00 : f32
      %neg3A_169 = vector.broadcast %neg3A : f32 to vector<16xf32>
      %neg3A_170 = arith.subf %neg3A_169, %add3A_168 : vector<16xf32>
      %exp3A = math.exp %neg3A_170 : vector<16xf32>
      %sub3A = arith.constant 1.000000e+00 : f32
      %sub3A_171 = vector.broadcast %sub3A : f32 to vector<16xf32>
      %sub3A_172 = arith.subf %sub3A_171, %exp3A : vector<16xf32>
      %swap3A = arith.index_cast %mul3A_10 : i32 to index
      %swap3A_173 = tpu.vector_load %arg5[%swap3A] {strides = array<i32>} : memref<128xf32, #tpu.memory_space<vmem>>, vector<16xf32>,
      tpu.vector_store %arg5[%swap3A], %sub3A_172 {strides = array<i32>} : memref<128xf32, #tpu.memory_space<vmem>>, vector<16xf32>,
    }
    %scan3A_7 = arith.constant 8 : i32
    "tpu.region"() ({
      %run_scoped3A = tpu.sem_alloc : memref<!tpu.dma_semaphore, #tpu.memory_space<semaphore_mem>>
      %dma_start3A = tpu.memref_slice %arg3[%mul3A_2] : memref<4096xf32, #tpu.memory_space<hbm>> -> memref<128xf32, #tpu.memory_space<hbm>>
      %dma_start3A_8 = tpu.memref_slice %arg3[%mul3A_2] : memref<4096xf32, #tpu.memory_space<hbm>> -> memref<128xf32, #tpu.memory_space<hbm>>
      tpu.enqueue_dma source(%arg5 : memref<128xf32, #tpu.memory_space<vmem>>) target(%dma_start3A_8 : memref<128xf32, #tpu.memory_space<hbm>>) target_semaphore(%run_scoped3A : memref<!tpu.dma_semaphore, #tpu.memory_space<semaphore_mem>>)
      %dma_wait3A = tpu.memref_slice %arg3[%mul3A_2] : memref<4096xf32, #tpu.memory_space<hbm>> -> memref<128xf32, #tpu.memory_space<hbm>>
      %dma_wait3A_9 = tpu.memref_slice %arg3[%mul3A_2] : memref<4096xf32, #tpu.memory_space<hbm>> -> memref<128xf32, #tpu.memory_space<hbm>>
      tpu.wait_dma2 semaphore(%run_scoped3A : memref<!tpu.dma_semaphore, #tpu.memory_space<semaphore_mem>>) src(%arg5 : memref<128xf32, #tpu.memory_space<vmem>>) dst(%dma_wait3A_9 : memref<128xf32, #tpu.memory_space<hbm>>)
      tpu.yield
    }) : () -> ()
    return
  }
}

#map = affine_map<(d0, d1) -> (0)>
#map1 = affine_map<(d0, d1) -> (0, 0)>
module attributes {stable_mosaic.version = 14 : i64} {
  func.func @sc_gather(%arg0: i32, %arg1: i32, %arg2: memref<4096xf32, #tpu.memory_space<hbm>>, %arg3: memref<4096xf32, #tpu.memory_space<hbm>>, %arg4: memref<4096xf32, #tpu.memory_space<hbm>>, %arg5: memref<4096xf32, #tpu.memory_space<hbm>>, %arg6: memref<4096xf32, #tpu.memory_space<hbm>>, %arg7: memref<4096xf32, #tpu.memory_space<hbm>>, %arg8: memref<262144xi32, #tpu.memory_space<hbm>>, %arg9: memref<262144xf32, #tpu.memory_space<hbm>>, %arg10: memref<262144xf32, #tpu.memory_space<hbm>>, %arg11: memref<8x262144xf32, #tpu.memory_space<hbm>>, %arg12: memref<4096xf32, #tpu.memory_space<vmem>>, %arg13: memref<4096xf32, #tpu.memory_space<vmem>>, %arg14: memref<4096xf32, #tpu.memory_space<vmem>>, %arg15: memref<4096xf32, #tpu.memory_space<vmem>>, %arg16: memref<4096xf32, #tpu.memory_space<vmem>>, %arg17: memref<4096xf32, #tpu.memory_space<vmem>>, %arg18: memref<8192xi32, #tpu.memory_space<vmem>>, %arg19: memref<8192xf32, #tpu.memory_space<vmem>>, %arg20: memref<8192xf32, #tpu.memory_space<vmem>>, %arg21: memref<8192xf32, #tpu.memory_space<vmem>>, %arg22: memref<8192xf32, #tpu.memory_space<vmem>>, %arg23: memref<8192xf32, #tpu.memory_space<vmem>>, %arg24: memref<8192xf32, #tpu.memory_space<vmem>>, %arg25: memref<!tpu.dma_semaphore, #tpu.memory_space<semaphore_mem>>) attributes {dimension_semantics = [#tpu.dimension_semantics<core_parallel>, #tpu.dimension_semantics<subcore_parallel>], iteration_bounds = array<i64: 2, 16>, scalar_prefetch = 0 : i64, scratch_operands = 14 : i64, tpu.core_type = #tpu.core_type<sc_vector_subcore>, window_params = [{transform_indices = #map}, {transform_indices = #map}, {transform_indices = #map}, {transform_indices = #map}, {transform_indices = #map}, {transform_indices = #map}, {transform_indices = #map}, {transform_indices = #map}, {transform_indices = #map}, {transform_indices = #map1}]} {
    %mul3A = arith.constant 2 : i32
    %mul3A_0 = arith.muli %arg1, %mul3A : i32
    %add3A = arith.addi %mul3A_0, %arg0 : i32
    %mul3A_1 = arith.constant 8192 : i32
    %mul3A_2 = arith.muli %add3A, %mul3A_1 : i32
    tpu.enqueue_dma source(%arg2 : memref<4096xf32, #tpu.memory_space<hbm>>) target(%arg12 : memref<4096xf32, #tpu.memory_space<vmem>>) target_semaphore(%arg25 : memref<!tpu.dma_semaphore, #tpu.memory_space<semaphore_mem>>)
    tpu.enqueue_dma source(%arg3 : memref<4096xf32, #tpu.memory_space<hbm>>) target(%arg13 : memref<4096xf32, #tpu.memory_space<vmem>>) target_semaphore(%arg25 : memref<!tpu.dma_semaphore, #tpu.memory_space<semaphore_mem>>)
    tpu.enqueue_dma source(%arg4 : memref<4096xf32, #tpu.memory_space<hbm>>) target(%arg14 : memref<4096xf32, #tpu.memory_space<vmem>>) target_semaphore(%arg25 : memref<!tpu.dma_semaphore, #tpu.memory_space<semaphore_mem>>)
    tpu.enqueue_dma source(%arg5 : memref<4096xf32, #tpu.memory_space<hbm>>) target(%arg15 : memref<4096xf32, #tpu.memory_space<vmem>>) target_semaphore(%arg25 : memref<!tpu.dma_semaphore, #tpu.memory_space<semaphore_mem>>)
    tpu.enqueue_dma source(%arg6 : memref<4096xf32, #tpu.memory_space<hbm>>) target(%arg16 : memref<4096xf32, #tpu.memory_space<vmem>>) target_semaphore(%arg25 : memref<!tpu.dma_semaphore, #tpu.memory_space<semaphore_mem>>)
    tpu.enqueue_dma source(%arg7 : memref<4096xf32, #tpu.memory_space<hbm>>) target(%arg17 : memref<4096xf32, #tpu.memory_space<vmem>>) target_semaphore(%arg25 : memref<!tpu.dma_semaphore, #tpu.memory_space<semaphore_mem>>)
    %dma_start3A = tpu.memref_slice %arg8[%mul3A_2] : memref<262144xi32, #tpu.memory_space<hbm>> -> memref<8192xi32, #tpu.memory_space<hbm>>
    %dma_start3A_3 = tpu.memref_slice %arg8[%mul3A_2] : memref<262144xi32, #tpu.memory_space<hbm>> -> memref<8192xi32, #tpu.memory_space<hbm>>
    tpu.enqueue_dma source(%dma_start3A_3 : memref<8192xi32, #tpu.memory_space<hbm>>) target(%arg18 : memref<8192xi32, #tpu.memory_space<vmem>>) target_semaphore(%arg25 : memref<!tpu.dma_semaphore, #tpu.memory_space<semaphore_mem>>)
    %dma_start3A_4 = tpu.memref_slice %arg9[%mul3A_2] : memref<262144xf32, #tpu.memory_space<hbm>> -> memref<8192xf32, #tpu.memory_space<hbm>>
    %dma_start3A_5 = tpu.memref_slice %arg9[%mul3A_2] : memref<262144xf32, #tpu.memory_space<hbm>> -> memref<8192xf32, #tpu.memory_space<hbm>>
    tpu.enqueue_dma source(%dma_start3A_5 : memref<8192xf32, #tpu.memory_space<hbm>>) target(%arg19 : memref<8192xf32, #tpu.memory_space<vmem>>) target_semaphore(%arg25 : memref<!tpu.dma_semaphore, #tpu.memory_space<semaphore_mem>>)
    %dma_start3A_6 = tpu.memref_slice %arg10[%mul3A_2] : memref<262144xf32, #tpu.memory_space<hbm>> -> memref<8192xf32, #tpu.memory_space<hbm>>
    %dma_start3A_7 = tpu.memref_slice %arg10[%mul3A_2] : memref<262144xf32, #tpu.memory_space<hbm>> -> memref<8192xf32, #tpu.memory_space<hbm>>
    tpu.enqueue_dma source(%dma_start3A_7 : memref<8192xf32, #tpu.memory_space<hbm>>) target(%arg20 : memref<8192xf32, #tpu.memory_space<vmem>>) target_semaphore(%arg25 : memref<!tpu.dma_semaphore, #tpu.memory_space<semaphore_mem>>)
    tpu.wait_dma2 semaphore(%arg25 : memref<!tpu.dma_semaphore, #tpu.memory_space<semaphore_mem>>) src(%arg2 : memref<4096xf32, #tpu.memory_space<hbm>>) dst(%arg12 : memref<4096xf32, #tpu.memory_space<vmem>>)
    tpu.wait_dma2 semaphore(%arg25 : memref<!tpu.dma_semaphore, #tpu.memory_space<semaphore_mem>>) src(%arg3 : memref<4096xf32, #tpu.memory_space<hbm>>) dst(%arg13 : memref<4096xf32, #tpu.memory_space<vmem>>)
    tpu.wait_dma2 semaphore(%arg25 : memref<!tpu.dma_semaphore, #tpu.memory_space<semaphore_mem>>) src(%arg4 : memref<4096xf32, #tpu.memory_space<hbm>>) dst(%arg14 : memref<4096xf32, #tpu.memory_space<vmem>>)
    tpu.wait_dma2 semaphore(%arg25 : memref<!tpu.dma_semaphore, #tpu.memory_space<semaphore_mem>>) src(%arg5 : memref<4096xf32, #tpu.memory_space<hbm>>) dst(%arg15 : memref<4096xf32, #tpu.memory_space<vmem>>)
    tpu.wait_dma2 semaphore(%arg25 : memref<!tpu.dma_semaphore, #tpu.memory_space<semaphore_mem>>) src(%arg6 : memref<4096xf32, #tpu.memory_space<hbm>>) dst(%arg16 : memref<4096xf32, #tpu.memory_space<vmem>>)
    tpu.wait_dma2 semaphore(%arg25 : memref<!tpu.dma_semaphore, #tpu.memory_space<semaphore_mem>>) src(%arg7 : memref<4096xf32, #tpu.memory_space<hbm>>) dst(%arg17 : memref<4096xf32, #tpu.memory_space<vmem>>)
    %dma_wait3A = tpu.memref_slice %arg8[%mul3A_2] : memref<262144xi32, #tpu.memory_space<hbm>> -> memref<8192xi32, #tpu.memory_space<hbm>>
    %dma_wait3A_8 = tpu.memref_slice %arg8[%mul3A_2] : memref<262144xi32, #tpu.memory_space<hbm>> -> memref<8192xi32, #tpu.memory_space<hbm>>
    tpu.wait_dma2 semaphore(%arg25 : memref<!tpu.dma_semaphore, #tpu.memory_space<semaphore_mem>>) src(%dma_wait3A_8 : memref<8192xi32, #tpu.memory_space<hbm>>) dst(%arg18 : memref<8192xi32, #tpu.memory_space<vmem>>)
    %dma_wait3A_9 = tpu.memref_slice %arg9[%mul3A_2] : memref<262144xf32, #tpu.memory_space<hbm>> -> memref<8192xf32, #tpu.memory_space<hbm>>
    %dma_wait3A_10 = tpu.memref_slice %arg9[%mul3A_2] : memref<262144xf32, #tpu.memory_space<hbm>> -> memref<8192xf32, #tpu.memory_space<hbm>>
    tpu.wait_dma2 semaphore(%arg25 : memref<!tpu.dma_semaphore, #tpu.memory_space<semaphore_mem>>) src(%dma_wait3A_10 : memref<8192xf32, #tpu.memory_space<hbm>>) dst(%arg19 : memref<8192xf32, #tpu.memory_space<vmem>>)
    %dma_wait3A_11 = tpu.memref_slice %arg10[%mul3A_2] : memref<262144xf32, #tpu.memory_space<hbm>> -> memref<8192xf32, #tpu.memory_space<hbm>>
    %dma_wait3A_12 = tpu.memref_slice %arg10[%mul3A_2] : memref<262144xf32, #tpu.memory_space<hbm>> -> memref<8192xf32, #tpu.memory_space<hbm>>
    tpu.wait_dma2 semaphore(%arg25 : memref<!tpu.dma_semaphore, #tpu.memory_space<semaphore_mem>>) src(%dma_wait3A_12 : memref<8192xf32, #tpu.memory_space<hbm>>) dst(%arg20 : memref<8192xf32, #tpu.memory_space<vmem>>)
    %parallel_loop3A = arith.constant 0 : i32
    %parallel_loop3A_13 = arith.constant 512 : i32
    %parallel_loop3A_14 = arith.constant 1 : i32
    scf.for %parallel_loop3A_55 = %parallel_loop3A to %parallel_loop3A_13 step %parallel_loop3A_14  : i32 {
      %parallel_loop3A_56 = arith.constant 16 : i32
      %parallel_loop3A_57 = arith.muli %parallel_loop3A_55, %parallel_loop3A_56 : i32
      %parallel_loop3A_58 = arith.index_cast %parallel_loop3A_57 : i32 to index
      %parallel_loop3A_59 = tpu.vector_load %arg18[%parallel_loop3A_58] {strides = array<i32>} : memref<8192xi32, #tpu.memory_space<vmem>>, vector<16xi32>,
      %parallel_loop3A_60 = arith.index_cast %parallel_loop3A_57 : i32 to index
      %parallel_loop3A_61 = tpu.vector_load %arg19[%parallel_loop3A_60] {strides = array<i32>} : memref<8192xf32, #tpu.memory_space<vmem>>, vector<16xf32>,
      %parallel_loop3A_62 = arith.index_cast %parallel_loop3A_57 : i32 to index
      %parallel_loop3A_63 = tpu.vector_load %arg20[%parallel_loop3A_62] {strides = array<i32>} : memref<8192xf32, #tpu.memory_space<vmem>>, vector<16xf32>,
      %parallel_loop3A_64 = arith.addf %parallel_loop3A_61, %parallel_loop3A_63 : vector<16xf32>
      %parallel_loop3A_65 = arith.constant 5.000000e-01 : f32
      %parallel_loop3A_66 = vector.broadcast %parallel_loop3A_65 : f32 to vector<16xf32>
      %parallel_loop3A_67 = arith.mulf %parallel_loop3A_64, %parallel_loop3A_66 : vector<16xf32>
      %parallel_loop3A_68 = tpu.vector_load_idx %arg12[%parallel_loop3A_59] : memref<4096xf32, #tpu.memory_space<vmem>>[vector<16xi32>], vector<16xf32>,
      %parallel_loop3A_69 = tpu.vector_load_idx %arg15[%parallel_loop3A_59] : memref<4096xf32, #tpu.memory_space<vmem>>[vector<16xi32>], vector<16xf32>,
      %parallel_loop3A_70 = arith.mulf %parallel_loop3A_69, %parallel_loop3A_67 : vector<16xf32>
      %parallel_loop3A_71 = arith.addf %parallel_loop3A_68, %parallel_loop3A_70 : vector<16xf32>
      %parallel_loop3A_72 = arith.constant -1.000000e+00 : f32
      %parallel_loop3A_73 = arith.constant 1.000000e+00 : f32
      %parallel_loop3A_74 = vector.broadcast %parallel_loop3A_72 : f32 to vector<16xf32>
      %parallel_loop3A_75 = arith.maximumf %parallel_loop3A_74, %parallel_loop3A_71 : vector<16xf32>
      %parallel_loop3A_76 = vector.broadcast %parallel_loop3A_73 : f32 to vector<16xf32>
      %parallel_loop3A_77 = arith.minimumf %parallel_loop3A_76, %parallel_loop3A_75 : vector<16xf32>
      %parallel_loop3A_78 = arith.index_cast %parallel_loop3A_57 : i32 to index
      %parallel_loop3A_79 = tpu.vector_load %arg21[%parallel_loop3A_78] {strides = array<i32>} : memref<8192xf32, #tpu.memory_space<vmem>>, vector<16xf32>,
      tpu.vector_store %arg21[%parallel_loop3A_78], %parallel_loop3A_77 {strides = array<i32>} : memref<8192xf32, #tpu.memory_space<vmem>>, vector<16xf32>,
      %parallel_loop3A_80 = tpu.vector_load_idx %arg13[%parallel_loop3A_59] : memref<4096xf32, #tpu.memory_space<vmem>>[vector<16xi32>], vector<16xf32>,
      %parallel_loop3A_81 = tpu.vector_load_idx %arg16[%parallel_loop3A_59] : memref<4096xf32, #tpu.memory_space<vmem>>[vector<16xi32>], vector<16xf32>,
      %parallel_loop3A_82 = arith.mulf %parallel_loop3A_81, %parallel_loop3A_67 : vector<16xf32>
      %parallel_loop3A_83 = arith.addf %parallel_loop3A_80, %parallel_loop3A_82 : vector<16xf32>
      %parallel_loop3A_84 = arith.constant -1.000000e+00 : f32
      %parallel_loop3A_85 = arith.constant 1.000000e+00 : f32
      %parallel_loop3A_86 = vector.broadcast %parallel_loop3A_84 : f32 to vector<16xf32>
      %parallel_loop3A_87 = arith.maximumf %parallel_loop3A_86, %parallel_loop3A_83 : vector<16xf32>
      %parallel_loop3A_88 = vector.broadcast %parallel_loop3A_85 : f32 to vector<16xf32>
      %parallel_loop3A_89 = arith.minimumf %parallel_loop3A_88, %parallel_loop3A_87 : vector<16xf32>
      %parallel_loop3A_90 = arith.index_cast %parallel_loop3A_57 : i32 to index
      %parallel_loop3A_91 = tpu.vector_load %arg22[%parallel_loop3A_90] {strides = array<i32>} : memref<8192xf32, #tpu.memory_space<vmem>>, vector<16xf32>,
      tpu.vector_store %arg22[%parallel_loop3A_90], %parallel_loop3A_89 {strides = array<i32>} : memref<8192xf32, #tpu.memory_space<vmem>>, vector<16xf32>,
      %parallel_loop3A_92 = tpu.vector_load_idx %arg14[%parallel_loop3A_59] : memref<4096xf32, #tpu.memory_space<vmem>>[vector<16xi32>], vector<16xf32>,
      %parallel_loop3A_93 = tpu.vector_load_idx %arg17[%parallel_loop3A_59] : memref<4096xf32, #tpu.memory_space<vmem>>[vector<16xi32>], vector<16xf32>,
      %parallel_loop3A_94 = arith.mulf %parallel_loop3A_93, %parallel_loop3A_67 : vector<16xf32>
      %parallel_loop3A_95 = arith.addf %parallel_loop3A_92, %parallel_loop3A_94 : vector<16xf32>
      %parallel_loop3A_96 = arith.constant -1.000000e+00 : f32
      %parallel_loop3A_97 = arith.constant 1.000000e+00 : f32
      %parallel_loop3A_98 = vector.broadcast %parallel_loop3A_96 : f32 to vector<16xf32>
      %parallel_loop3A_99 = arith.maximumf %parallel_loop3A_98, %parallel_loop3A_95 : vector<16xf32>
      %parallel_loop3A_100 = vector.broadcast %parallel_loop3A_97 : f32 to vector<16xf32>
      %parallel_loop3A_101 = arith.minimumf %parallel_loop3A_100, %parallel_loop3A_99 : vector<16xf32>
      %parallel_loop3A_102 = arith.index_cast %parallel_loop3A_57 : i32 to index
      %parallel_loop3A_103 = tpu.vector_load %arg23[%parallel_loop3A_102] {strides = array<i32>} : memref<8192xf32, #tpu.memory_space<vmem>>, vector<16xf32>,
      tpu.vector_store %arg23[%parallel_loop3A_102], %parallel_loop3A_101 {strides = array<i32>} : memref<8192xf32, #tpu.memory_space<vmem>>, vector<16xf32>,
      %parallel_loop3A_104 = arith.subf %parallel_loop3A_63, %parallel_loop3A_61 : vector<16xf32>
      %parallel_loop3A_105 = arith.index_cast %parallel_loop3A_57 : i32 to index
      %parallel_loop3A_106 = tpu.vector_load %arg24[%parallel_loop3A_105] {strides = array<i32>} : memref<8192xf32, #tpu.memory_space<vmem>>, vector<16xf32>,
      tpu.vector_store %arg24[%parallel_loop3A_105], %parallel_loop3A_104 {strides = array<i32>} : memref<8192xf32, #tpu.memory_space<vmem>>, vector<16xf32>,
    } {sc.loop_unroll_factor = 4 : i64, sc.parallel_access}
    %dma_start3A_15 = arith.constant 0 : i32
    %dma_start3A_16 = tpu.memref_slice %arg11[%dma_start3A_15, %mul3A_2] : memref<8x262144xf32, #tpu.memory_space<hbm>> -> memref<1x8192xf32, #tpu.memory_space<hbm>>
    %dma_start3A_17 = tpu.memref_squeeze %dma_start3A_16 : memref<1x8192xf32, #tpu.memory_space<hbm>> -> memref<8192xf32, #tpu.memory_space<hbm>>
    %dma_start3A_18 = tpu.memref_slice %arg11[%dma_start3A_15, %mul3A_2] : memref<8x262144xf32, #tpu.memory_space<hbm>> -> memref<1x8192xf32, #tpu.memory_space<hbm>>
    %dma_start3A_19 = tpu.memref_squeeze %dma_start3A_18 : memref<1x8192xf32, #tpu.memory_space<hbm>> -> memref<8192xf32, #tpu.memory_space<hbm>>
    tpu.enqueue_dma source(%arg21 : memref<8192xf32, #tpu.memory_space<vmem>>) target(%dma_start3A_19 : memref<8192xf32, #tpu.memory_space<hbm>>) target_semaphore(%arg25 : memref<!tpu.dma_semaphore, #tpu.memory_space<semaphore_mem>>)
    %dma_start3A_20 = arith.constant 1 : i32
    %dma_start3A_21 = tpu.memref_slice %arg11[%dma_start3A_20, %mul3A_2] : memref<8x262144xf32, #tpu.memory_space<hbm>> -> memref<1x8192xf32, #tpu.memory_space<hbm>>
    %dma_start3A_22 = tpu.memref_squeeze %dma_start3A_21 : memref<1x8192xf32, #tpu.memory_space<hbm>> -> memref<8192xf32, #tpu.memory_space<hbm>>
    %dma_start3A_23 = tpu.memref_slice %arg11[%dma_start3A_20, %mul3A_2] : memref<8x262144xf32, #tpu.memory_space<hbm>> -> memref<1x8192xf32, #tpu.memory_space<hbm>>
    %dma_start3A_24 = tpu.memref_squeeze %dma_start3A_23 : memref<1x8192xf32, #tpu.memory_space<hbm>> -> memref<8192xf32, #tpu.memory_space<hbm>>
    tpu.enqueue_dma source(%arg22 : memref<8192xf32, #tpu.memory_space<vmem>>) target(%dma_start3A_24 : memref<8192xf32, #tpu.memory_space<hbm>>) target_semaphore(%arg25 : memref<!tpu.dma_semaphore, #tpu.memory_space<semaphore_mem>>)
    %dma_start3A_25 = arith.constant 2 : i32
    %dma_start3A_26 = tpu.memref_slice %arg11[%dma_start3A_25, %mul3A_2] : memref<8x262144xf32, #tpu.memory_space<hbm>> -> memref<1x8192xf32, #tpu.memory_space<hbm>>
    %dma_start3A_27 = tpu.memref_squeeze %dma_start3A_26 : memref<1x8192xf32, #tpu.memory_space<hbm>> -> memref<8192xf32, #tpu.memory_space<hbm>>
    %dma_start3A_28 = tpu.memref_slice %arg11[%dma_start3A_25, %mul3A_2] : memref<8x262144xf32, #tpu.memory_space<hbm>> -> memref<1x8192xf32, #tpu.memory_space<hbm>>
    %dma_start3A_29 = tpu.memref_squeeze %dma_start3A_28 : memref<1x8192xf32, #tpu.memory_space<hbm>> -> memref<8192xf32, #tpu.memory_space<hbm>>
    tpu.enqueue_dma source(%arg23 : memref<8192xf32, #tpu.memory_space<vmem>>) target(%dma_start3A_29 : memref<8192xf32, #tpu.memory_space<hbm>>) target_semaphore(%arg25 : memref<!tpu.dma_semaphore, #tpu.memory_space<semaphore_mem>>)
    %dma_start3A_30 = arith.constant 3 : i32
    %dma_start3A_31 = tpu.memref_slice %arg11[%dma_start3A_30, %mul3A_2] : memref<8x262144xf32, #tpu.memory_space<hbm>> -> memref<1x8192xf32, #tpu.memory_space<hbm>>
    %dma_start3A_32 = tpu.memref_squeeze %dma_start3A_31 : memref<1x8192xf32, #tpu.memory_space<hbm>> -> memref<8192xf32, #tpu.memory_space<hbm>>
    %dma_start3A_33 = tpu.memref_slice %arg11[%dma_start3A_30, %mul3A_2] : memref<8x262144xf32, #tpu.memory_space<hbm>> -> memref<1x8192xf32, #tpu.memory_space<hbm>>
    %dma_start3A_34 = tpu.memref_squeeze %dma_start3A_33 : memref<1x8192xf32, #tpu.memory_space<hbm>> -> memref<8192xf32, #tpu.memory_space<hbm>>
    tpu.enqueue_dma source(%arg24 : memref<8192xf32, #tpu.memory_space<vmem>>) target(%dma_start3A_34 : memref<8192xf32, #tpu.memory_space<hbm>>) target_semaphore(%arg25 : memref<!tpu.dma_semaphore, #tpu.memory_space<semaphore_mem>>)
    %dma_wait3A_35 = arith.constant 0 : i32
    %dma_wait3A_36 = tpu.memref_slice %arg11[%dma_wait3A_35, %mul3A_2] : memref<8x262144xf32, #tpu.memory_space<hbm>> -> memref<1x8192xf32, #tpu.memory_space<hbm>>
    %dma_wait3A_37 = tpu.memref_squeeze %dma_wait3A_36 : memref<1x8192xf32, #tpu.memory_space<hbm>> -> memref<8192xf32, #tpu.memory_space<hbm>>
    %dma_wait3A_38 = tpu.memref_slice %arg11[%dma_wait3A_35, %mul3A_2] : memref<8x262144xf32, #tpu.memory_space<hbm>> -> memref<1x8192xf32, #tpu.memory_space<hbm>>
    %dma_wait3A_39 = tpu.memref_squeeze %dma_wait3A_38 : memref<1x8192xf32, #tpu.memory_space<hbm>> -> memref<8192xf32, #tpu.memory_space<hbm>>
    tpu.wait_dma2 semaphore(%arg25 : memref<!tpu.dma_semaphore, #tpu.memory_space<semaphore_mem>>) src(%arg21 : memref<8192xf32, #tpu.memory_space<vmem>>) dst(%dma_wait3A_39 : memref<8192xf32, #tpu.memory_space<hbm>>)
    %dma_wait3A_40 = arith.constant 1 : i32
    %dma_wait3A_41 = tpu.memref_slice %arg11[%dma_wait3A_40, %mul3A_2] : memref<8x262144xf32, #tpu.memory_space<hbm>> -> memref<1x8192xf32, #tpu.memory_space<hbm>>
    %dma_wait3A_42 = tpu.memref_squeeze %dma_wait3A_41 : memref<1x8192xf32, #tpu.memory_space<hbm>> -> memref<8192xf32, #tpu.memory_space<hbm>>
    %dma_wait3A_43 = tpu.memref_slice %arg11[%dma_wait3A_40, %mul3A_2] : memref<8x262144xf32, #tpu.memory_space<hbm>> -> memref<1x8192xf32, #tpu.memory_space<hbm>>
    %dma_wait3A_44 = tpu.memref_squeeze %dma_wait3A_43 : memref<1x8192xf32, #tpu.memory_space<hbm>> -> memref<8192xf32, #tpu.memory_space<hbm>>
    tpu.wait_dma2 semaphore(%arg25 : memref<!tpu.dma_semaphore, #tpu.memory_space<semaphore_mem>>) src(%arg22 : memref<8192xf32, #tpu.memory_space<vmem>>) dst(%dma_wait3A_44 : memref<8192xf32, #tpu.memory_space<hbm>>)
    %dma_wait3A_45 = arith.constant 2 : i32
    %dma_wait3A_46 = tpu.memref_slice %arg11[%dma_wait3A_45, %mul3A_2] : memref<8x262144xf32, #tpu.memory_space<hbm>> -> memref<1x8192xf32, #tpu.memory_space<hbm>>
    %dma_wait3A_47 = tpu.memref_squeeze %dma_wait3A_46 : memref<1x8192xf32, #tpu.memory_space<hbm>> -> memref<8192xf32, #tpu.memory_space<hbm>>
    %dma_wait3A_48 = tpu.memref_slice %arg11[%dma_wait3A_45, %mul3A_2] : memref<8x262144xf32, #tpu.memory_space<hbm>> -> memref<1x8192xf32, #tpu.memory_space<hbm>>
    %dma_wait3A_49 = tpu.memref_squeeze %dma_wait3A_48 : memref<1x8192xf32, #tpu.memory_space<hbm>> -> memref<8192xf32, #tpu.memory_space<hbm>>
    tpu.wait_dma2 semaphore(%arg25 : memref<!tpu.dma_semaphore, #tpu.memory_space<semaphore_mem>>) src(%arg23 : memref<8192xf32, #tpu.memory_space<vmem>>) dst(%dma_wait3A_49 : memref<8192xf32, #tpu.memory_space<hbm>>)
    %dma_wait3A_50 = arith.constant 3 : i32
    %dma_wait3A_51 = tpu.memref_slice %arg11[%dma_wait3A_50, %mul3A_2] : memref<8x262144xf32, #tpu.memory_space<hbm>> -> memref<1x8192xf32, #tpu.memory_space<hbm>>
    %dma_wait3A_52 = tpu.memref_squeeze %dma_wait3A_51 : memref<1x8192xf32, #tpu.memory_space<hbm>> -> memref<8192xf32, #tpu.memory_space<hbm>>
    %dma_wait3A_53 = tpu.memref_slice %arg11[%dma_wait3A_50, %mul3A_2] : memref<8x262144xf32, #tpu.memory_space<hbm>> -> memref<1x8192xf32, #tpu.memory_space<hbm>>
    %dma_wait3A_54 = tpu.memref_squeeze %dma_wait3A_53 : memref<1x8192xf32, #tpu.memory_space<hbm>> -> memref<8192xf32, #tpu.memory_space<hbm>>
    tpu.wait_dma2 semaphore(%arg25 : memref<!tpu.dma_semaphore, #tpu.memory_space<semaphore_mem>>) src(%arg24 : memref<8192xf32, #tpu.memory_space<vmem>>) dst(%dma_wait3A_54 : memref<8192xf32, #tpu.memory_space<hbm>>)
    return
  }
}

#map = affine_map<(d0, d1) -> (0, 0)>
#map1 = affine_map<(d0, d1) -> (0)>
module attributes {stable_mosaic.version = 14 : i64} {
  func.func @sc_segsum(%arg0: i32, %arg1: i32, %arg2: memref<1x262144xf32, #tpu.memory_space<hbm>>, %arg3: memref<262144xi32, #tpu.memory_space<hbm>>, %arg4: memref<32x4096xf32, #tpu.memory_space<hbm>>, %arg5: memref<1x8192xf32, #tpu.memory_space<vmem>>, %arg6: memref<8192xi32, #tpu.memory_space<vmem>>, %arg7: memref<4096xf32, #tpu.memory_space<vmem>>, %arg8: memref<!tpu.dma_semaphore, #tpu.memory_space<semaphore_mem>>) attributes {dimension_semantics = [#tpu.dimension_semantics<core_parallel>, #tpu.dimension_semantics<subcore_parallel>], iteration_bounds = array<i64: 2, 16>, scalar_prefetch = 0 : i64, scratch_operands = 4 : i64, tpu.core_type = #tpu.core_type<sc_vector_subcore>, window_params = [{transform_indices = #map}, {transform_indices = #map1}, {transform_indices = #map}]} {
    %mul3A = arith.constant 2 : i32
    %mul3A_0 = arith.muli %arg1, %mul3A : i32
    %add3A = arith.addi %mul3A_0, %arg0 : i32
    %mul3A_1 = arith.constant 8192 : i32
    %mul3A_2 = arith.muli %add3A, %mul3A_1 : i32
    %dma_start3A = arith.constant 0 : i32
    %dma_start3A_3 = tpu.memref_slice %arg2[%dma_start3A, %mul3A_2] : memref<1x262144xf32, #tpu.memory_space<hbm>> -> memref<1x8192xf32, #tpu.memory_space<hbm>>
    %dma_start3A_4 = arith.constant 0 : i32
    %dma_start3A_5 = tpu.memref_slice %arg2[%dma_start3A_4, %mul3A_2] : memref<1x262144xf32, #tpu.memory_space<hbm>> -> memref<1x8192xf32, #tpu.memory_space<hbm>>
    tpu.enqueue_dma source(%dma_start3A_5 : memref<1x8192xf32, #tpu.memory_space<hbm>>) target(%arg5 : memref<1x8192xf32, #tpu.memory_space<vmem>>) target_semaphore(%arg8 : memref<!tpu.dma_semaphore, #tpu.memory_space<semaphore_mem>>)
    %dma_start3A_6 = tpu.memref_slice %arg3[%mul3A_2] : memref<262144xi32, #tpu.memory_space<hbm>> -> memref<8192xi32, #tpu.memory_space<hbm>>
    %dma_start3A_7 = tpu.memref_slice %arg3[%mul3A_2] : memref<262144xi32, #tpu.memory_space<hbm>> -> memref<8192xi32, #tpu.memory_space<hbm>>
    tpu.enqueue_dma source(%dma_start3A_7 : memref<8192xi32, #tpu.memory_space<hbm>>) target(%arg6 : memref<8192xi32, #tpu.memory_space<vmem>>) target_semaphore(%arg8 : memref<!tpu.dma_semaphore, #tpu.memory_space<semaphore_mem>>)
    %broadcast_in_dim3A = arith.constant 0.000000e+00 : f32
    %broadcast_in_dim3A_8 = vector.broadcast %broadcast_in_dim3A : f32 to vector<16xf32>
    %scan3A = arith.constant 0 : i32
    %scan3A_9 = arith.constant 0 : i32
    %scan3A_10 = arith.constant 32 : i32
    %scan3A_11 = arith.addi %scan3A_9, %scan3A_10 : i32
    %scan3A_12 = arith.constant 1 : i32
    scf.for %scan3A_25 = %scan3A_9 to %scan3A_11 step %scan3A_12  : i32 {
      %mul3A_26 = arith.constant 128 : i32
      %mul3A_27 = arith.muli %scan3A_25, %mul3A_26 : i32
      %add3A_28 = arith.constant 0 : i32
      %add3A_29 = arith.addi %mul3A_27, %add3A_28 : i32
      %swap3A = arith.index_cast %add3A_29 : i32 to index
      %swap3A_30 = tpu.vector_load %arg7[%swap3A] {strides = array<i32>} : memref<4096xf32, #tpu.memory_space<vmem>>, vector<16xf32>,
      tpu.vector_store %arg7[%swap3A], %broadcast_in_dim3A_8 {strides = array<i32>} : memref<4096xf32, #tpu.memory_space<vmem>>, vector<16xf32>,
      %add3A_31 = arith.constant 16 : i32
      %add3A_32 = arith.addi %mul3A_27, %add3A_31 : i32
      %swap3A_33 = arith.index_cast %add3A_32 : i32 to index
      %swap3A_34 = tpu.vector_load %arg7[%swap3A_33] {strides = array<i32>} : memref<4096xf32, #tpu.memory_space<vmem>>, vector<16xf32>,
      tpu.vector_store %arg7[%swap3A_33], %broadcast_in_dim3A_8 {strides = array<i32>} : memref<4096xf32, #tpu.memory_space<vmem>>, vector<16xf32>,
      %add3A_35 = arith.constant 32 : i32
      %add3A_36 = arith.addi %mul3A_27, %add3A_35 : i32
      %swap3A_37 = arith.index_cast %add3A_36 : i32 to index
      %swap3A_38 = tpu.vector_load %arg7[%swap3A_37] {strides = array<i32>} : memref<4096xf32, #tpu.memory_space<vmem>>, vector<16xf32>,
      tpu.vector_store %arg7[%swap3A_37], %broadcast_in_dim3A_8 {strides = array<i32>} : memref<4096xf32, #tpu.memory_space<vmem>>, vector<16xf32>,
      %add3A_39 = arith.constant 48 : i32
      %add3A_40 = arith.addi %mul3A_27, %add3A_39 : i32
      %swap3A_41 = arith.index_cast %add3A_40 : i32 to index
      %swap3A_42 = tpu.vector_load %arg7[%swap3A_41] {strides = array<i32>} : memref<4096xf32, #tpu.memory_space<vmem>>, vector<16xf32>,
      tpu.vector_store %arg7[%swap3A_41], %broadcast_in_dim3A_8 {strides = array<i32>} : memref<4096xf32, #tpu.memory_space<vmem>>, vector<16xf32>,
      %add3A_43 = arith.constant 64 : i32
      %add3A_44 = arith.addi %mul3A_27, %add3A_43 : i32
      %swap3A_45 = arith.index_cast %add3A_44 : i32 to index
      %swap3A_46 = tpu.vector_load %arg7[%swap3A_45] {strides = array<i32>} : memref<4096xf32, #tpu.memory_space<vmem>>, vector<16xf32>,
      tpu.vector_store %arg7[%swap3A_45], %broadcast_in_dim3A_8 {strides = array<i32>} : memref<4096xf32, #tpu.memory_space<vmem>>, vector<16xf32>,
      %add3A_47 = arith.constant 80 : i32
      %add3A_48 = arith.addi %mul3A_27, %add3A_47 : i32
      %swap3A_49 = arith.index_cast %add3A_48 : i32 to index
      %swap3A_50 = tpu.vector_load %arg7[%swap3A_49] {strides = array<i32>} : memref<4096xf32, #tpu.memory_space<vmem>>, vector<16xf32>,
      tpu.vector_store %arg7[%swap3A_49], %broadcast_in_dim3A_8 {strides = array<i32>} : memref<4096xf32, #tpu.memory_space<vmem>>, vector<16xf32>,
      %add3A_51 = arith.constant 96 : i32
      %add3A_52 = arith.addi %mul3A_27, %add3A_51 : i32
      %swap3A_53 = arith.index_cast %add3A_52 : i32 to index
      %swap3A_54 = tpu.vector_load %arg7[%swap3A_53] {strides = array<i32>} : memref<4096xf32, #tpu.memory_space<vmem>>, vector<16xf32>,
      tpu.vector_store %arg7[%swap3A_53], %broadcast_in_dim3A_8 {strides = array<i32>} : memref<4096xf32, #tpu.memory_space<vmem>>, vector<16xf32>,
      %add3A_55 = arith.constant 112 : i32
      %add3A_56 = arith.addi %mul3A_27, %add3A_55 : i32
      %swap3A_57 = arith.index_cast %add3A_56 : i32 to index
      %swap3A_58 = tpu.vector_load %arg7[%swap3A_57] {strides = array<i32>} : memref<4096xf32, #tpu.memory_space<vmem>>, vector<16xf32>,
      tpu.vector_store %arg7[%swap3A_57], %broadcast_in_dim3A_8 {strides = array<i32>} : memref<4096xf32, #tpu.memory_space<vmem>>, vector<16xf32>,
    }
    %scan3A_13 = arith.constant 32 : i32
    %dma_wait3A = arith.constant 0 : i32
    %dma_wait3A_14 = tpu.memref_slice %arg2[%dma_wait3A, %mul3A_2] : memref<1x262144xf32, #tpu.memory_space<hbm>> -> memref<1x8192xf32, #tpu.memory_space<hbm>>
    %dma_wait3A_15 = arith.constant 0 : i32
    %dma_wait3A_16 = tpu.memref_slice %arg2[%dma_wait3A_15, %mul3A_2] : memref<1x262144xf32, #tpu.memory_space<hbm>> -> memref<1x8192xf32, #tpu.memory_space<hbm>>
    tpu.wait_dma2 semaphore(%arg8 : memref<!tpu.dma_semaphore, #tpu.memory_space<semaphore_mem>>) src(%dma_wait3A_16 : memref<1x8192xf32, #tpu.memory_space<hbm>>) dst(%arg5 : memref<1x8192xf32, #tpu.memory_space<vmem>>)
    %dma_wait3A_17 = tpu.memref_slice %arg3[%mul3A_2] : memref<262144xi32, #tpu.memory_space<hbm>> -> memref<8192xi32, #tpu.memory_space<hbm>>
    %dma_wait3A_18 = tpu.memref_slice %arg3[%mul3A_2] : memref<262144xi32, #tpu.memory_space<hbm>> -> memref<8192xi32, #tpu.memory_space<hbm>>
    tpu.wait_dma2 semaphore(%arg8 : memref<!tpu.dma_semaphore, #tpu.memory_space<semaphore_mem>>) src(%dma_wait3A_18 : memref<8192xi32, #tpu.memory_space<hbm>>) dst(%arg6 : memref<8192xi32, #tpu.memory_space<vmem>>)
    %scan3A_19 = arith.constant 0 : i32
    %scan3A_20 = arith.constant 0 : i32
    %scan3A_21 = arith.constant 512 : i32
    %scan3A_22 = arith.addi %scan3A_20, %scan3A_21 : i32
    %scan3A_23 = arith.constant 4 : i32
    scf.for %scan3A_25 = %scan3A_20 to %scan3A_22 step %scan3A_23  : i32 {
      %mul3A_26 = arith.constant 16 : i32
      %mul3A_27 = arith.muli %scan3A_25, %mul3A_26 : i32
      %get3A = arith.index_cast %mul3A_27 : i32 to index
      %get3A_28 = tpu.vector_load %arg6[%get3A] {strides = array<i32>} : memref<8192xi32, #tpu.memory_space<vmem>>, vector<16xi32>,
      %get3A_29 = arith.constant 0 : i32
      %get3A_30 = arith.index_cast %get3A_29 : i32 to index
      %get3A_31 = arith.index_cast %mul3A_27 : i32 to index
      %get3A_32 = tpu.vector_load %arg5[%get3A_30, %get3A_31] {strides = array<i32>} : memref<1x8192xf32, #tpu.memory_space<vmem>>, vector<16xf32>,
      tpu.vector_store_idx %arg7[%get3A_28], %get3A_32 {add = true} : memref<4096xf32, #tpu.memory_space<vmem>>[vector<16xi32>], vector<16xf32>,
      %scan3A_33 = arith.constant 1 : i32
      %scan3A_34 = arith.addi %scan3A_25, %scan3A_33 : i32
      %mul3A_35 = arith.constant 16 : i32
      %mul3A_36 = arith.muli %scan3A_34, %mul3A_35 : i32
      %get3A_37 = arith.index_cast %mul3A_36 : i32 to index
      %get3A_38 = tpu.vector_load %arg6[%get3A_37] {strides = array<i32>} : memref<8192xi32, #tpu.memory_space<vmem>>, vector<16xi32>,
      %get3A_39 = arith.constant 0 : i32
      %get3A_40 = arith.index_cast %get3A_39 : i32 to index
      %get3A_41 = arith.index_cast %mul3A_36 : i32 to index
      %get3A_42 = tpu.vector_load %arg5[%get3A_40, %get3A_41] {strides = array<i32>} : memref<1x8192xf32, #tpu.memory_space<vmem>>, vector<16xf32>,
      tpu.vector_store_idx %arg7[%get3A_38], %get3A_42 {add = true} : memref<4096xf32, #tpu.memory_space<vmem>>[vector<16xi32>], vector<16xf32>,
      %scan3A_43 = arith.constant 2 : i32
      %scan3A_44 = arith.addi %scan3A_25, %scan3A_43 : i32
      %mul3A_45 = arith.constant 16 : i32
      %mul3A_46 = arith.muli %scan3A_44, %mul3A_45 : i32
      %get3A_47 = arith.index_cast %mul3A_46 : i32 to index
      %get3A_48 = tpu.vector_load %arg6[%get3A_47] {strides = array<i32>} : memref<8192xi32, #tpu.memory_space<vmem>>, vector<16xi32>,
      %get3A_49 = arith.constant 0 : i32
      %get3A_50 = arith.index_cast %get3A_49 : i32 to index
      %get3A_51 = arith.index_cast %mul3A_46 : i32 to index
      %get3A_52 = tpu.vector_load %arg5[%get3A_50, %get3A_51] {strides = array<i32>} : memref<1x8192xf32, #tpu.memory_space<vmem>>, vector<16xf32>,
      tpu.vector_store_idx %arg7[%get3A_48], %get3A_52 {add = true} : memref<4096xf32, #tpu.memory_space<vmem>>[vector<16xi32>], vector<16xf32>,
      %scan3A_53 = arith.constant 3 : i32
      %scan3A_54 = arith.addi %scan3A_25, %scan3A_53 : i32
      %mul3A_55 = arith.constant 16 : i32
      %mul3A_56 = arith.muli %scan3A_54, %mul3A_55 : i32
      %get3A_57 = arith.index_cast %mul3A_56 : i32 to index
      %get3A_58 = tpu.vector_load %arg6[%get3A_57] {strides = array<i32>} : memref<8192xi32, #tpu.memory_space<vmem>>, vector<16xi32>,
      %get3A_59 = arith.constant 0 : i32
      %get3A_60 = arith.index_cast %get3A_59 : i32 to index
      %get3A_61 = arith.index_cast %mul3A_56 : i32 to index
      %get3A_62 = tpu.vector_load %arg5[%get3A_60, %get3A_61] {strides = array<i32>} : memref<1x8192xf32, #tpu.memory_space<vmem>>, vector<16xf32>,
      tpu.vector_store_idx %arg7[%get3A_58], %get3A_62 {add = true} : memref<4096xf32, #tpu.memory_space<vmem>>[vector<16xi32>], vector<16xf32>,
    }
    %scan3A_24 = arith.constant 512 : i32
    "tpu.region"() ({
      %run_scoped3A = tpu.sem_alloc : memref<!tpu.dma_semaphore, #tpu.memory_space<semaphore_mem>>
      %dma_start3A_25 = arith.constant 0 : i32
      %dma_start3A_26 = tpu.memref_slice %arg4[%add3A, %dma_start3A_25] : memref<32x4096xf32, #tpu.memory_space<hbm>> -> memref<1x4096xf32, #tpu.memory_space<hbm>>
      %dma_start3A_27 = tpu.memref_squeeze %dma_start3A_26 : memref<1x4096xf32, #tpu.memory_space<hbm>> -> memref<4096xf32, #tpu.memory_space<hbm>>
      %dma_start3A_28 = arith.constant 0 : i32
      %dma_start3A_29 = tpu.memref_slice %arg4[%add3A, %dma_start3A_28] : memref<32x4096xf32, #tpu.memory_space<hbm>> -> memref<1x4096xf32, #tpu.memory_space<hbm>>
      %dma_start3A_30 = tpu.memref_squeeze %dma_start3A_29 : memref<1x4096xf32, #tpu.memory_space<hbm>> -> memref<4096xf32, #tpu.memory_space<hbm>>
      tpu.enqueue_dma source(%arg7 : memref<4096xf32, #tpu.memory_space<vmem>>) target(%dma_start3A_30 : memref<4096xf32, #tpu.memory_space<hbm>>) target_semaphore(%run_scoped3A : memref<!tpu.dma_semaphore, #tpu.memory_space<semaphore_mem>>)
      %dma_wait3A_31 = arith.constant 0 : i32
      %dma_wait3A_32 = tpu.memref_slice %arg4[%add3A, %dma_wait3A_31] : memref<32x4096xf32, #tpu.memory_space<hbm>> -> memref<1x4096xf32, #tpu.memory_space<hbm>>
      %dma_wait3A_33 = tpu.memref_squeeze %dma_wait3A_32 : memref<1x4096xf32, #tpu.memory_space<hbm>> -> memref<4096xf32, #tpu.memory_space<hbm>>
      %dma_wait3A_34 = arith.constant 0 : i32
      %dma_wait3A_35 = tpu.memref_slice %arg4[%add3A, %dma_wait3A_34] : memref<32x4096xf32, #tpu.memory_space<hbm>> -> memref<1x4096xf32, #tpu.memory_space<hbm>>
      %dma_wait3A_36 = tpu.memref_squeeze %dma_wait3A_35 : memref<1x4096xf32, #tpu.memory_space<hbm>> -> memref<4096xf32, #tpu.memory_space<hbm>>
      tpu.wait_dma2 semaphore(%run_scoped3A : memref<!tpu.dma_semaphore, #tpu.memory_space<semaphore_mem>>) src(%arg7 : memref<4096xf32, #tpu.memory_space<vmem>>) dst(%dma_wait3A_36 : memref<4096xf32, #tpu.memory_space<hbm>>)
      tpu.yield
    }) : () -> ()
    return
  }
}

module attributes {stable_mosaic.version = 14 : i64} {
  func.func @_tc_mlp_body(%arg0: i32, %arg1: memref<8x65536xf32, #tpu.memory_space<vmem>>, %arg2: memref<8x1xf32, #tpu.memory_space<vmem>>, %arg3: memref<128x56xbf16, #tpu.memory_space<vmem>>, %arg4: memref<128x128xbf16, #tpu.memory_space<vmem>>, %arg5: memref<128x1xbf16, #tpu.memory_space<vmem>>, %arg6: memref<8x128xbf16, #tpu.memory_space<vmem>>, %arg7: memref<1x1xf32, #tpu.memory_space<vmem>>, %arg8: memref<1x65536xf32, #tpu.memory_space<vmem>>) attributes {dimension_semantics = [#tpu.dimension_semantics<arbitrary>], iteration_bounds = array<i64: 4>, scalar_prefetch = 0 : i64, scratch_operands = 0 : i64, tpu.core_type = #tpu.core_type<tc>, window_params = [{transform_indices = @transform_0, window_bounds = array<i64: 8, 65536>}, {pipeline_mode = #tpu.pipeline_mode<synchronous>, transform_indices = @transform_1, window_bounds = array<i64: 8, 1>}, {pipeline_mode = #tpu.pipeline_mode<synchronous>, transform_indices = @transform_2, window_bounds = array<i64: 128, 56>}, {pipeline_mode = #tpu.pipeline_mode<synchronous>, transform_indices = @transform_3, window_bounds = array<i64: 128, 128>}, {pipeline_mode = #tpu.pipeline_mode<synchronous>, transform_indices = @transform_4, window_bounds = array<i64: 128, 1>}, {pipeline_mode = #tpu.pipeline_mode<synchronous>, transform_indices = @transform_5, window_bounds = array<i64: 8, 128>}, {pipeline_mode = #tpu.pipeline_mode<synchronous>, transform_indices = @transform_6, window_bounds = array<i64: 1, 1>}, {transform_indices = @transform_7, window_bounds = array<i64: 1, 65536>}]} {
    %get3A = arith.constant 0 : index
    %get3A_0 = arith.constant 0 : index
    %get3A_1 = vector.load %arg1[%get3A, %get3A_0] : memref<8x65536xf32, #tpu.memory_space<vmem>>, vector<8x65536xf32>
    %iota3A = tpu.iota {dimensions = array<i32: 0>} : vector<8x65536xi32>
    %get3A_2 = arith.constant 0 : index
    %get3A_3 = arith.constant 0 : index
    %get3A_4 = vector.load %arg2[%get3A_2, %get3A_3] : memref<8x1xf32, #tpu.memory_space<vmem>>, vector<8x1xf32>
    %lt3A = arith.constant 3 : i32
    %lt3A_5 = vector.broadcast %lt3A : i32 to vector<8x65536xi32>
    %lt3A_6 = arith.cmpi slt, %iota3A, %lt3A_5 : vector<8x65536xi32>
    %jit3A = arith.constant 0.000000e+00 : f32
    %broadcast_in_dim3A = vector.broadcast %jit3A : f32 to vector<8x65536xf32>
    %select_n3A = arith.select %lt3A_6, %get3A_1, %broadcast_in_dim3A : vector<8x65536xi1>, vector<8x65536xf32>
    %lt3A_7 = arith.constant 4 : i32
    %lt3A_8 = vector.broadcast %lt3A_7 : i32 to vector<8x65536xi32>
    %lt3A_9 = arith.cmpi slt, %iota3A, %lt3A_8 : vector<8x65536xi32>
    %lt3A_10 = arith.constant 3 : i32
    %lt3A_11 = vector.broadcast %lt3A_10 : i32 to vector<8x65536xi32>
    %lt3A_12 = arith.cmpi slt, %iota3A, %lt3A_11 : vector<8x65536xi32>
    %jit3A_13 = arith.constant 1.000000e+00 : f32
    %broadcast_in_dim3A_14 = vector.broadcast %jit3A_13 : f32 to vector<8x65536xf32>
    %select_n3A_15 = arith.select %lt3A_12, %get3A_1, %broadcast_in_dim3A_14 : vector<8x65536xi1>, vector<8x65536xf32>
    %jit3A_16 = arith.constant 0.000000e+00 : f32
    %broadcast_in_dim3A_17 = vector.broadcast %jit3A_16 : f32 to vector<8x65536xf32>
    %select_n3A_18 = arith.select %lt3A_9, %select_n3A_15, %broadcast_in_dim3A_17 : vector<8x65536xi1>, vector<8x65536xf32>
    %slice3A = vector.extract_strided_slice %select_n3A {offsets = [4, 0], sizes = [4, 65536], strides = [1, 1]} : vector<8x65536xf32> to vector<4x65536xf32>
    %slice3A_19 = vector.extract_strided_slice %select_n3A {offsets = [0, 0], sizes = [4, 65536], strides = [1, 1]} : vector<8x65536xf32> to vector<4x65536xf32>
    %concatenate3A = tpu.concatenate %slice3A, %slice3A_19 in 0 : vector<4x65536xf32>, vector<4x65536xf32> -> vector<8x65536xf32>
    %add3A = arith.addf %select_n3A, %concatenate3A : vector<8x65536xf32>
    %add3A_20 = vector.broadcast %get3A_4 : vector<8x1xf32> to vector<8x65536xf32>
    %add3A_21 = arith.addf %add3A, %add3A_20 : vector<8x65536xf32>
    %mul3A = arith.constant 0.318309873 : f32
    %mul3A_22 = vector.broadcast %mul3A : f32 to vector<8x65536xf32>
    %mul3A_23 = arith.mulf %add3A_21, %mul3A_22 : vector<8x65536xf32>
    %add3A_24 = arith.constant 5.000000e-01 : f32
    %add3A_25 = vector.broadcast %add3A_24 : f32 to vector<8x65536xf32>
    %add3A_26 = arith.addf %mul3A_23, %add3A_25 : vector<8x65536xf32>
    %floor3A = math.floor %add3A_26 : vector<8x65536xf32>
    %mul3A_27 = arith.constant 3.14159274 : f32
    %mul3A_28 = vector.broadcast %mul3A_27 : f32 to vector<8x65536xf32>
    %mul3A_29 = arith.mulf %floor3A, %mul3A_28 : vector<8x65536xf32>
    %sub3A = arith.subf %add3A_21, %mul3A_29 : vector<8x65536xf32>
    %mul3A_30 = arith.mulf %sub3A, %sub3A : vector<8x65536xf32>
    %mul3A_31 = arith.constant -1.84925637E-4 : f32
    %mul3A_32 = vector.broadcast %mul3A_31 : f32 to vector<8x65536xf32>
    %mul3A_33 = arith.mulf %mul3A_32, %mul3A_30 : vector<8x65536xf32>
    %add3A_34 = arith.constant 0.00831237807 : f32
    %add3A_35 = vector.broadcast %add3A_34 : f32 to vector<8x65536xf32>
    %add3A_36 = arith.addf %mul3A_33, %add3A_35 : vector<8x65536xf32>
    %mul3A_37 = arith.mulf %add3A_36, %mul3A_30 : vector<8x65536xf32>
    %add3A_38 = arith.constant -0.166656822 : f32
    %add3A_39 = vector.broadcast %add3A_38 : f32 to vector<8x65536xf32>
    %add3A_40 = arith.addf %mul3A_37, %add3A_39 : vector<8x65536xf32>
    %mul3A_41 = arith.mulf %add3A_40, %mul3A_30 : vector<8x65536xf32>
    %mul3A_42 = arith.mulf %mul3A_41, %sub3A : vector<8x65536xf32>
    %add3A_43 = arith.addf %mul3A_42, %sub3A : vector<8x65536xf32>
    %convert_element_type3A = arith.fptosi %floor3A : vector<8x65536xf32> to vector<8x65536xi32>
    %shift_left3A = arith.constant 31 : i32
    %shift_left3A_44 = vector.broadcast %shift_left3A : i32 to vector<8x65536xi32>
    %shift_left3A_45 = arith.shli %convert_element_type3A, %shift_left3A_44 : vector<8x65536xi32>
    %bitcast_convert_type3A = tpu.bitcast %add3A_43 : vector<8x65536xf32> -> vector<8x65536xi32>
    %xor3A = arith.xori %bitcast_convert_type3A, %shift_left3A_45 : vector<8x65536xi32>
    %bitcast_convert_type3A_46 = tpu.bitcast %xor3A : vector<8x65536xi32> -> vector<8x65536xf32>
    %slice3A_47 = vector.extract_strided_slice %bitcast_convert_type3A_46 {offsets = [4, 0], sizes = [4, 65536], strides = [1, 1]} : vector<8x65536xf32> to vector<4x65536xf32>
    %slice3A_48 = vector.extract_strided_slice %bitcast_convert_type3A_46 {offsets = [0, 0], sizes = [4, 65536], strides = [1, 1]} : vector<8x65536xf32> to vector<4x65536xf32>
    %concatenate3A_49 = tpu.concatenate %slice3A_47, %slice3A_48 in 0 : vector<4x65536xf32>, vector<4x65536xf32> -> vector<8x65536xf32>
    %mul3A_50 = arith.mulf %bitcast_convert_type3A_46, %concatenate3A_49 : vector<8x65536xf32>
    %add3A_51 = arith.addf %bitcast_convert_type3A_46, %bitcast_convert_type3A_46 : vector<8x65536xf32>
    %mul3A_52 = arith.mulf %add3A_51, %bitcast_convert_type3A_46 : vector<8x65536xf32>
    %sub3A_53 = arith.constant 1.000000e+00 : f32
    %sub3A_54 = vector.broadcast %sub3A_53 : f32 to vector<8x65536xf32>
    %sub3A_55 = arith.subf %sub3A_54, %mul3A_52 : vector<8x65536xf32>
    %lt3A_56 = arith.constant 4 : i32
    %lt3A_57 = vector.broadcast %lt3A_56 : i32 to vector<8x65536xi32>
    %lt3A_58 = arith.cmpi slt, %iota3A, %lt3A_57 : vector<8x65536xi32>
    %add3A_59 = arith.addf %mul3A_50, %mul3A_50 : vector<8x65536xf32>
    %select_n3A_60 = arith.select %lt3A_58, %sub3A_55, %add3A_59 : vector<8x65536xi1>, vector<8x65536xf32>
    %slice3A_61 = vector.extract_strided_slice %select_n3A_60 {offsets = [4, 0], sizes = [4, 65536], strides = [1, 1]} : vector<8x65536xf32> to vector<4x65536xf32>
    %slice3A_62 = vector.extract_strided_slice %select_n3A_60 {offsets = [0, 0], sizes = [4, 65536], strides = [1, 1]} : vector<8x65536xf32> to vector<4x65536xf32>
    %concatenate3A_63 = tpu.concatenate %slice3A_61, %slice3A_62 in 0 : vector<4x65536xf32>, vector<4x65536xf32> -> vector<8x65536xf32>
    %slice3A_64 = vector.extract_strided_slice %concatenate3A_63 {offsets = [4, 0], sizes = [4, 65536], strides = [1, 1]} : vector<8x65536xf32> to vector<4x65536xf32>
    %slice3A_65 = vector.extract_strided_slice %concatenate3A_63 {offsets = [0, 0], sizes = [4, 65536], strides = [1, 1]} : vector<8x65536xf32> to vector<4x65536xf32>
    %concatenate3A_66 = tpu.concatenate %slice3A_64, %slice3A_65 in 0 : vector<4x65536xf32>, vector<4x65536xf32> -> vector<8x65536xf32>
    %mul3A_67 = arith.mulf %concatenate3A_63, %concatenate3A_66 : vector<8x65536xf32>
    %add3A_68 = arith.addf %concatenate3A_63, %concatenate3A_63 : vector<8x65536xf32>
    %mul3A_69 = arith.mulf %add3A_68, %concatenate3A_63 : vector<8x65536xf32>
    %sub3A_70 = arith.constant 1.000000e+00 : f32
    %sub3A_71 = vector.broadcast %sub3A_70 : f32 to vector<8x65536xf32>
    %sub3A_72 = arith.subf %sub3A_71, %mul3A_69 : vector<8x65536xf32>
    %lt3A_73 = arith.constant 4 : i32
    %lt3A_74 = vector.broadcast %lt3A_73 : i32 to vector<8x65536xi32>
    %lt3A_75 = arith.cmpi slt, %iota3A, %lt3A_74 : vector<8x65536xi32>
    %add3A_76 = arith.addf %mul3A_67, %mul3A_67 : vector<8x65536xf32>
    %select_n3A_77 = arith.select %lt3A_75, %sub3A_72, %add3A_76 : vector<8x65536xi1>, vector<8x65536xf32>
    %slice3A_78 = vector.extract_strided_slice %select_n3A_77 {offsets = [4, 0], sizes = [4, 65536], strides = [1, 1]} : vector<8x65536xf32> to vector<4x65536xf32>
    %slice3A_79 = vector.extract_strided_slice %select_n3A_77 {offsets = [0, 0], sizes = [4, 65536], strides = [1, 1]} : vector<8x65536xf32> to vector<4x65536xf32>
    %concatenate3A_80 = tpu.concatenate %slice3A_78, %slice3A_79 in 0 : vector<4x65536xf32>, vector<4x65536xf32> -> vector<8x65536xf32>
    %slice3A_81 = vector.extract_strided_slice %concatenate3A_80 {offsets = [4, 0], sizes = [4, 65536], strides = [1, 1]} : vector<8x65536xf32> to vector<4x65536xf32>
    %slice3A_82 = vector.extract_strided_slice %concatenate3A_80 {offsets = [0, 0], sizes = [4, 65536], strides = [1, 1]} : vector<8x65536xf32> to vector<4x65536xf32>
    %concatenate3A_83 = tpu.concatenate %slice3A_81, %slice3A_82 in 0 : vector<4x65536xf32>, vector<4x65536xf32> -> vector<8x65536xf32>
    %mul3A_84 = arith.mulf %concatenate3A_80, %concatenate3A_83 : vector<8x65536xf32>
    %add3A_85 = arith.addf %concatenate3A_80, %concatenate3A_80 : vector<8x65536xf32>
    %mul3A_86 = arith.mulf %add3A_85, %concatenate3A_80 : vector<8x65536xf32>
    %sub3A_87 = arith.constant 1.000000e+00 : f32
    %sub3A_88 = vector.broadcast %sub3A_87 : f32 to vector<8x65536xf32>
    %sub3A_89 = arith.subf %sub3A_88, %mul3A_86 : vector<8x65536xf32>
    %lt3A_90 = arith.constant 4 : i32
    %lt3A_91 = vector.broadcast %lt3A_90 : i32 to vector<8x65536xi32>
    %lt3A_92 = arith.cmpi slt, %iota3A, %lt3A_91 : vector<8x65536xi32>
    %add3A_93 = arith.addf %mul3A_84, %mul3A_84 : vector<8x65536xf32>
    %select_n3A_94 = arith.select %lt3A_92, %sub3A_89, %add3A_93 : vector<8x65536xi1>, vector<8x65536xf32>
    %slice3A_95 = vector.extract_strided_slice %select_n3A_94 {offsets = [4, 0], sizes = [4, 65536], strides = [1, 1]} : vector<8x65536xf32> to vector<4x65536xf32>
    %slice3A_96 = vector.extract_strided_slice %select_n3A_94 {offsets = [0, 0], sizes = [4, 65536], strides = [1, 1]} : vector<8x65536xf32> to vector<4x65536xf32>
    %concatenate3A_97 = tpu.concatenate %slice3A_95, %slice3A_96 in 0 : vector<4x65536xf32>, vector<4x65536xf32> -> vector<8x65536xf32>
    %slice3A_98 = vector.extract_strided_slice %concatenate3A_97 {offsets = [4, 0], sizes = [4, 65536], strides = [1, 1]} : vector<8x65536xf32> to vector<4x65536xf32>
    %slice3A_99 = vector.extract_strided_slice %concatenate3A_97 {offsets = [0, 0], sizes = [4, 65536], strides = [1, 1]} : vector<8x65536xf32> to vector<4x65536xf32>
    %concatenate3A_100 = tpu.concatenate %slice3A_98, %slice3A_99 in 0 : vector<4x65536xf32>, vector<4x65536xf32> -> vector<8x65536xf32>
    %mul3A_101 = arith.mulf %concatenate3A_97, %concatenate3A_100 : vector<8x65536xf32>
    %add3A_102 = arith.addf %concatenate3A_97, %concatenate3A_97 : vector<8x65536xf32>
    %mul3A_103 = arith.mulf %add3A_102, %concatenate3A_97 : vector<8x65536xf32>
    %sub3A_104 = arith.constant 1.000000e+00 : f32
    %sub3A_105 = vector.broadcast %sub3A_104 : f32 to vector<8x65536xf32>
    %sub3A_106 = arith.subf %sub3A_105, %mul3A_103 : vector<8x65536xf32>
    %lt3A_107 = arith.constant 4 : i32
    %lt3A_108 = vector.broadcast %lt3A_107 : i32 to vector<8x65536xi32>
    %lt3A_109 = arith.cmpi slt, %iota3A, %lt3A_108 : vector<8x65536xi32>
    %add3A_110 = arith.addf %mul3A_101, %mul3A_101 : vector<8x65536xf32>
    %select_n3A_111 = arith.select %lt3A_109, %sub3A_106, %add3A_110 : vector<8x65536xi1>, vector<8x65536xf32>
    %slice3A_112 = vector.extract_strided_slice %select_n3A_111 {offsets = [4, 0], sizes = [4, 65536], strides = [1, 1]} : vector<8x65536xf32> to vector<4x65536xf32>
    %slice3A_113 = vector.extract_strided_slice %select_n3A_111 {offsets = [0, 0], sizes = [4, 65536], strides = [1, 1]} : vector<8x65536xf32> to vector<4x65536xf32>
    %concatenate3A_114 = tpu.concatenate %slice3A_112, %slice3A_113 in 0 : vector<4x65536xf32>, vector<4x65536xf32> -> vector<8x65536xf32>
    %slice3A_115 = vector.extract_strided_slice %concatenate3A_114 {offsets = [4, 0], sizes = [4, 65536], strides = [1, 1]} : vector<8x65536xf32> to vector<4x65536xf32>
    %slice3A_116 = vector.extract_strided_slice %concatenate3A_114 {offsets = [0, 0], sizes = [4, 65536], strides = [1, 1]} : vector<8x65536xf32> to vector<4x65536xf32>
    %concatenate3A_117 = tpu.concatenate %slice3A_115, %slice3A_116 in 0 : vector<4x65536xf32>, vector<4x65536xf32> -> vector<8x65536xf32>
    %mul3A_118 = arith.mulf %concatenate3A_114, %concatenate3A_117 : vector<8x65536xf32>
    %add3A_119 = arith.addf %concatenate3A_114, %concatenate3A_114 : vector<8x65536xf32>
    %mul3A_120 = arith.mulf %add3A_119, %concatenate3A_114 : vector<8x65536xf32>
    %sub3A_121 = arith.constant 1.000000e+00 : f32
    %sub3A_122 = vector.broadcast %sub3A_121 : f32 to vector<8x65536xf32>
    %sub3A_123 = arith.subf %sub3A_122, %mul3A_120 : vector<8x65536xf32>
    %lt3A_124 = arith.constant 4 : i32
    %lt3A_125 = vector.broadcast %lt3A_124 : i32 to vector<8x65536xi32>
    %lt3A_126 = arith.cmpi slt, %iota3A, %lt3A_125 : vector<8x65536xi32>
    %add3A_127 = arith.addf %mul3A_118, %mul3A_118 : vector<8x65536xf32>
    %select_n3A_128 = arith.select %lt3A_126, %sub3A_123, %add3A_127 : vector<8x65536xi1>, vector<8x65536xf32>
    %slice3A_129 = vector.extract_strided_slice %select_n3A_128 {offsets = [4, 0], sizes = [4, 65536], strides = [1, 1]} : vector<8x65536xf32> to vector<4x65536xf32>
    %slice3A_130 = vector.extract_strided_slice %select_n3A_128 {offsets = [0, 0], sizes = [4, 65536], strides = [1, 1]} : vector<8x65536xf32> to vector<4x65536xf32>
    %concatenate3A_131 = tpu.concatenate %slice3A_129, %slice3A_130 in 0 : vector<4x65536xf32>, vector<4x65536xf32> -> vector<8x65536xf32>
    %concatenate3A_132 = tpu.concatenate %select_n3A_18, %bitcast_convert_type3A_46, %concatenate3A_63, %concatenate3A_80, %concatenate3A_97, %concatenate3A_114, %concatenate3A_131 in 0 : vector<8x65536xf32>, vector<8x65536xf32>, vector<8x65536xf32>, vector<8x65536xf32>, vector<8x65536xf32>, vector<8x65536xf32>, vector<8x65536xf32> -> vector<56x65536xf32>
    %get3A_133 = arith.constant 0 : index
    %get3A_134 = arith.constant 0 : index
    %get3A_135 = vector.load %arg3[%get3A_133, %get3A_134] : memref<128x56xbf16, #tpu.memory_space<vmem>>, vector<128x56xbf16>
    %convert_element_type3A_136 = arith.truncf %concatenate3A_132 : vector<56x65536xf32> to vector<56x65536xbf16>
    %dot_general3A = arith.constant dense<0.000000e+00> : vector<128x65536xf32>
    %dot_general3A_137 = tpu.matmul %get3A_135, %convert_element_type3A_136, %dot_general3A {dimension_numbers = #tpu.dot_dimension_numbers<[1], [0], [0], [1], [0, 0, 1, 1], [], []>, transpose_lhs_hint = false} : vector<128x56xbf16>, vector<56x65536xbf16>, vector<128x65536xf32> -> vector<128x65536xf32>
    %convert_element_type3A_138 = arith.truncf %dot_general3A_137 : vector<128x65536xf32> to vector<128x65536xbf16>
    %max3A = arith.constant 0.000000e+00 : bf16
    %max3A_139 = vector.broadcast %max3A : bf16 to vector<128x65536xbf16>
    %max3A_140 = arith.maximumf %convert_element_type3A_138, %max3A_139 : vector<128x65536xbf16>
    %get3A_141 = arith.constant 0 : index
    %get3A_142 = arith.constant 0 : index
    %get3A_143 = vector.load %arg4[%get3A_141, %get3A_142] : memref<128x128xbf16, #tpu.memory_space<vmem>>, vector<128x128xbf16>
    %dot_general3A_144 = arith.constant dense<0.000000e+00> : vector<128x65536xf32>
    %dot_general3A_145 = tpu.matmul %get3A_143, %max3A_140, %dot_general3A_144 {dimension_numbers = #tpu.dot_dimension_numbers<[1], [0], [0], [1], [0, 0, 1, 1], [], []>, transpose_lhs_hint = false} : vector<128x128xbf16>, vector<128x65536xbf16>, vector<128x65536xf32> -> vector<128x65536xf32>
    %convert_element_type3A_146 = arith.truncf %dot_general3A_145 : vector<128x65536xf32> to vector<128x65536xbf16>
    %get3A_147 = arith.constant 0 : index
    %get3A_148 = arith.constant 0 : index
    %get3A_149 = vector.load %arg5[%get3A_147, %get3A_148] : memref<128x1xbf16, #tpu.memory_space<vmem>>, vector<128x1xbf16>
    %add3A_150 = vector.broadcast %get3A_149 : vector<128x1xbf16> to vector<128x65536xbf16>
    %add3A_151 = arith.addf %convert_element_type3A_146, %add3A_150 : vector<128x65536xbf16>
    %max3A_152 = arith.constant 0.000000e+00 : bf16
    %max3A_153 = vector.broadcast %max3A_152 : bf16 to vector<128x65536xbf16>
    %max3A_154 = arith.maximumf %add3A_151, %max3A_153 : vector<128x65536xbf16>
    %get3A_155 = arith.constant 0 : index
    %get3A_156 = arith.constant 0 : index
    %get3A_157 = vector.load %arg6[%get3A_155, %get3A_156] : memref<8x128xbf16, #tpu.memory_space<vmem>>, vector<8x128xbf16>
    %dot_general3A_158 = arith.constant dense<0.000000e+00> : vector<8x65536xf32>
    %dot_general3A_159 = tpu.matmul %get3A_157, %max3A_154, %dot_general3A_158 {dimension_numbers = #tpu.dot_dimension_numbers<[1], [0], [0], [1], [0, 0, 1, 1], [], []>, transpose_lhs_hint = false} : vector<8x128xbf16>, vector<128x65536xbf16>, vector<8x65536xf32> -> vector<8x65536xf32>
    %slice3A_160 = vector.extract_strided_slice %dot_general3A_159 {offsets = [0, 0], sizes = [1, 65536], strides = [1, 1]} : vector<8x65536xf32> to vector<1x65536xf32>
    %get3A_161 = arith.constant 0 : index
    %get3A_162 = arith.constant 0 : index
    %get3A_163 = vector.load %arg7[%get3A_161, %get3A_162] : memref<1x1xf32, #tpu.memory_space<vmem>>, vector<1x1xf32>
    %add3A_164 = vector.broadcast %get3A_163 : vector<1x1xf32> to vector<1x65536xf32>
    %add3A_165 = arith.addf %slice3A_160, %add3A_164 : vector<1x65536xf32>
    %max3A_166 = arith.constant 0.000000e+00 : f32
    %max3A_167 = vector.broadcast %max3A_166 : f32 to vector<1x65536xf32>
    %max3A_168 = arith.maximumf %add3A_165, %max3A_167 : vector<1x65536xf32>
    %abs3A = math.absf %add3A_165 : vector<1x65536xf32>
    %neg3A = arith.constant 0.000000e+00 : f32
    %neg3A_169 = vector.broadcast %neg3A : f32 to vector<1x65536xf32>
    %neg3A_170 = arith.subf %neg3A_169, %abs3A : vector<1x65536xf32>
    %exp3A = math.exp %neg3A_170 : vector<1x65536xf32>
    %add3A_171 = arith.constant 1.000000e+00 : f32
    %add3A_172 = vector.broadcast %add3A_171 : f32 to vector<1x65536xf32>
    %add3A_173 = arith.addf %add3A_172, %exp3A : vector<1x65536xf32>
    %log3A = math.log %add3A_173 : vector<1x65536xf32>
    %add3A_174 = arith.addf %max3A_168, %log3A : vector<1x65536xf32>
    %slice3A_175 = vector.extract_strided_slice %get3A_1 {offsets = [3, 0], sizes = [1, 65536], strides = [1, 1]} : vector<8x65536xf32> to vector<1x65536xf32>
    %mul3A_176 = arith.mulf %add3A_174, %slice3A_175 : vector<1x65536xf32>
    %swap3A = arith.constant 0 : index
    %swap3A_177 = arith.constant 0 : index
    %swap3A_178 = vector.load %arg8[%swap3A, %swap3A_177] : memref<1x65536xf32, #tpu.memory_space<vmem>>, vector<1x65536xf32>
    tpu.vector_store %arg8[%swap3A, %swap3A_177], %mul3A_176 {strides = array<i32>} : memref<1x65536xf32, #tpu.memory_space<vmem>>, vector<1x65536xf32>,
    return
  }
  func.func @transform_0(%arg0: i32) -> (i32, i32) {
    %c0_i32 = arith.constant 0 : i32
    %c0_i32_0 = arith.constant 0 : i32
    return %c0_i32, %arg0 : i32, i32
  }
  func.func @transform_1(%arg0: i32) -> (i32, i32) {
    %c0_i32 = arith.constant 0 : i32
    %c0_i32_0 = arith.constant 0 : i32
    %c0_i32_1 = arith.constant 0 : i32
    return %c0_i32, %c0_i32_0 : i32, i32
  }
  func.func @transform_2(%arg0: i32) -> (i32, i32) {
    %c0_i32 = arith.constant 0 : i32
    %c0_i32_0 = arith.constant 0 : i32
    %c0_i32_1 = arith.constant 0 : i32
    return %c0_i32, %c0_i32_0 : i32, i32
  }
  func.func @transform_3(%arg0: i32) -> (i32, i32) {
    %c0_i32 = arith.constant 0 : i32
    %c0_i32_0 = arith.constant 0 : i32
    %c0_i32_1 = arith.constant 0 : i32
    return %c0_i32, %c0_i32_0 : i32, i32
  }
  func.func @transform_4(%arg0: i32) -> (i32, i32) {
    %c0_i32 = arith.constant 0 : i32
    %c0_i32_0 = arith.constant 0 : i32
    %c0_i32_1 = arith.constant 0 : i32
    return %c0_i32, %c0_i32_0 : i32, i32
  }
  func.func @transform_5(%arg0: i32) -> (i32, i32) {
    %c0_i32 = arith.constant 0 : i32
    %c0_i32_0 = arith.constant 0 : i32
    %c0_i32_1 = arith.constant 0 : i32
    return %c0_i32, %c0_i32_0 : i32, i32
  }
  func.func @transform_6(%arg0: i32) -> (i32, i32) {
    %c0_i32 = arith.constant 0 : i32
    %c0_i32_0 = arith.constant 0 : i32
    %c0_i32_1 = arith.constant 0 : i32
    return %c0_i32, %c0_i32_0 : i32, i32
  }
  func.func @transform_7(%arg0: i32) -> (i32, i32) {
    %c0_i32 = arith.constant 0 : i32
    %c0_i32_0 = arith.constant 0 : i32
    return %c0_i32, %arg0 : i32, i32
  }
}

</mosaic_0001>

<sc_bundles>
// kernel: kernel.12.cloned.1.call-start
scs
__scs_entry_jumppad:
0x0: {  	(pc) =	sbr.rel $0x88, $3  }
0x1: {  	(tag) =	ssettag $0x0;
	lr =	simm.s32 $0x1  }
0x2: {  	[smem:$0x3F96] =	sst lr;
	_ =	strace $0xD0000000  }
0x3: {  	_ = 	snop  }
0x4: {  	_ = 	snop  }
0x5: {  	_ = 	snop  }
0x6: {  	_ = 	snop  }
0x7: {  	_ = 	snop  }
__scs_overlays_trampoline_lowered:
0x8: {  	[smem:$0x3FA5] =	sst s0  }
0x9: {  	[smem:$0x3FA6] =	sst s1  }
0xa: {  	[smem:$0x3FA7] =	sst s2  }
0xb: {  	[smem:$0x3FA8] =	sst s3  }
0xc: {  	[smem:$0x3FA9] =	sst s4  }
0xd: {  	[smem:$0x3FAA] =	sst s5  }
0xe: {  	[smem:$0x3FAB] =	sst s6  }
0xf: {  	[smem:$0x3FAC] =	sst s7  }
0x10: {  	[smem:$0x3FAD] =	sst s8  }
0x11: {  	[smem:$0x3FAE] =	sst s9;
	s0 =	simm.s32 @!p0 $0x0  }
0x12: {  	s1 =	sld [smem:$0x3F94];
	s0 =	simm.s32 @p0 $0x1  }
0x13: {  	[smem:$0x3FAF] =	sst s0;
	s0 =	simm.s32 @!p1 $0x0  }
0x14: {  	s2 =	sld [smem:$0x3F93];
	s0 =	simm.s32 @p1 $0x1  }
0x15: {  	[smem:$0x3FB0] =	sst s0;
	s0 =	simm.s32 @!p2 $0x0  }
0x16: {  	s3 =	sld [smem:$0x3FDB];
	s0 =	simm.s32 @p2 $0x1  }
0x17: {  	s4 =	simm.s32 $0x1BF5;
	[smem:$0x3FB2] =	sst s0  }
0x18: {  	s0 =	sld [smem:$0x3F95];
	_ =	swait.ge [sflag:s4], $0x0  }
0x19: {  	s7 =	sld [smem:$0x3F96]  }
0x1a: {  	s8 =	sadd.s32 $0xFFFFE003, lr  }
0x1b: {  	s9 =	sadd.s32 $0xFFFFFEF7, lr;
	s5 =	simm.s32 $0xFFFFFFFF;
	p2 =	slt.u32 s8, $0xFFFFF086  }
0x1c: {  	p1 =	slt.u32 s9, $0xF7A;
	s5 =	simm.s32 @!p2 $0x0  }
0x1d: {  	s5 =	simm.s32 @p1 $0x1;
	p0 =	seq.s32 s7, s2  }
0x1e: {  	s7 =	smul.u32 @!p0 $0xF7A, s2;
	p2 =	seq.s32 @!p0 s5, $0x0  }
0x1f: {  	s9 =	smul.u32 $0xF7A, s1;
	s8 =	simm.s32 @!p0 $0x1BF5;
	p2 =	por !p2, p0  }
0x20: {  	[sflag:s8] =	ssyncset.s32 @!p0 $0xFFFFF086;
	s6 =	sadd.s32 @!p0 s3, s7;
	s7 =	simm.s32 @!p0 $0x108  }
0x21: {  	s3 =	sadd.s32 s3, s9;
	s6 =	sadd.s32 @!p0 $0x88, s6;
	s7 =	simm.s32 @p2 $0x1082  }
0x22: {  	[simem:s7], [sflag:s8] =	dma.local @!p0 [hbm:s6], $0xF7A  }
0x23: {  	s9 =	sor.u32 $0xD0000000, s2;
	s6 =	simm.s32 $0x108;
	_ =	swait.ge @!p0 [sflag:s8], $0x0  }
0x24: {  	s3 =	sadd.s32 $0x88, s3;
	s6 =	simm.s32 @!p1 $0x1082;
	[sflag:s4] =	ssyncset.s32 $0xFFFFF086  }
0x25: {  	[simem:s6], [sflag:s4] =	dma.local [hbm:s3], $0xF7A  }
0x26: {  	[smem:$0x3F96] =	sst s1;
	(tag) =	ssettag s2;
	_ =	strace s9  }
0x27: {  	s1 =	sld [smem:$0x3FA6]  }
0x28: {  	s2 =	sld [smem:$0x3FA7]  }
0x29: {  	s4 =	sld [smem:$0x3FA9]  }
0x2a: {  	p0 =	seq.s32 s5, $0x0;
	s5 =	sld [smem:$0x3FAA]  }
0x2b: {  	s6 =	sld [smem:$0x3FAB]  }
0x2c: {  	s7 =	sld [smem:$0x3FAC]  }
0x2d: {  	s3 =	simm.s32 $0x108;
	s8 =	sld [smem:$0x3FAD]  }
0x2e: {  	s3 =	simm.s32 @!p0 $0x1082;
	s9 =	sld [smem:$0x3FAE]  }
0x2f: {  	lr =	sadd.s32 s0, s3;
	s0 =	sld [smem:$0x3FA5]  }
0x30: {  	s3 =	sld [smem:$0x3FA8]  }
0x31: {  	[smem:$0x3FB1] =	sst s10  }
0x32: {  	s10 =	sld [smem:$0x3FAF];
	_ =	sdelay $0x3  }
0x33: {  	p0 =	seq.s32 s10, $0x1;
	s10 =	sld [smem:$0x3FB1];
	_ =	sdelay $0x3  }
0x34: {  	[smem:$0x3FB1] =	sst s10  }
0x35: {  	s10 =	sld [smem:$0x3FB0];
	_ =	sdelay $0x3  }
0x36: {  	p1 =	seq.s32 s10, $0x1;
	s10 =	sld [smem:$0x3FB1];
	_ =	sdelay $0x3  }
0x37: {  	[smem:$0x3FB1] =	sst s10  }
0x38: {  	s10 =	sld [smem:$0x3FB2]  }
0x39: {  	_ = 	snop;
	(pc) =	sbr.ind lr, $3  }
0x3a: {  	_ = 	snop  }
0x3b: {  	_ = 	snop  }
0x3c: {  	p2 =	seq.s32 s10, $0x1;
	s10 =	sld [smem:$0x3FB1]  }
0x3d: {  	_ =	shalt  }
0x3e: {  	_ =	shalt  }
0x3f: {  	_ =	shalt  }
0x40: {  	_ =	shalt  }
0x41: {  	_ =	shalt  }
0x42: {  	_ =	shalt  }
0x43: {  	_ =	shalt  }
0x44: {  	_ =	shalt  }
0x45: {  	_ =	shalt  }
0x46: {  	_ =	shalt  }
0x47: {  	_ =	shalt  }
0x48: {  	_ =	shalt  }
0x49: {  	_ =	shalt  }
0x4a: {  	_ =	shalt  }
0x4b: {  	_ =	shalt  }
0x4c: {  	_ =	shalt  }
0x4d: {  	_ =	shalt  }
0x4e: {  	_ =	shalt  }
0x4f: {  	_ =	shalt  }
0x50: {  	_ =	shalt  }
0x51: {  	_ =	shalt  }
0x52: {  	_ =	shalt  }
0x53: {  	_ =	shalt  }
0x54: {  	_ =	shalt  }
0x55: {  	_ =	shalt  }
0x56: {  	_ =	shalt  }
0x57: {  	_ =	shalt  }
0x58: {  	_ =	shalt  }
0x59: {  	_ =	shalt  }
0x5a: {  	_ =	shalt  }
0x5b: {  	_ =	shalt  }
0x5c: {  	_ =	shalt  }
0x5d: {  	_ =	shalt  }
0x5e: {  	_ =	shalt  }
0x5f: {  	_ =	shalt  }
0x60: {  	_ =	shalt  }
0x61: {  	_ =	shalt  }
0x62: {  	_ =	shalt  }
0x63: {  	_ =	shalt  }
0x64: {  	_ =	shalt  }
0x65: {  	_ =	shalt  }
0x66: {  	_ =	shalt  }
0x67: {  	_ =	shalt  }
0x68: {  	_ =	shalt  }
0x69: {  	_ =	shalt  }
0x6a: {  	_ =	shalt  }
0x6b: {  	_ =	shalt  }
0x6c: {  	_ =	shalt  }
0x6d: {  	_ =	shalt  }
0x6e: {  	_ =	shalt  }
0x6f: {  	_ =	shalt  }
0x70: {  	_ =	shalt  }
0x71: {  	_ =	shalt  }
0x72: {  	_ =	shalt  }
0x73: {  	_ =	shalt  }
0x74: {  	_ =	shalt  }
0x75: {  	_ =	shalt  }
0x76: {  	_ =	shalt  }
0x77: {  	_ =	shalt  }
0x78: {  	_ =	shalt  }
0x79: {  	_ =	shalt  }
0x7a: {  	_ =	shalt  }
0x7b: {  	_ =	shalt  }
0x7c: {  	_ =	shalt  }
0x7d: {  	_ =	shalt  }
0x7e: {  	_ =	shalt  }
0x7f: {  	_ =	shalt  }
0x80: {  	_ =	shalt  }
0x81: {  	_ =	shalt  }
0x82: {  	_ =	shalt  }
0x83: {  	_ =	shalt  }
0x84: {  	_ =	shalt  }
0x85: {  	_ =	shalt  }
0x86: {  	_ =	shalt  }
0x87: {  	_ =	shalt  }
.Lfunc_end0:
.L_simem_size_0:
called_computation.2_lowered:
.L_overlay_start_0:
0x88: {  	s2 =	sld [smem:$0x3FD9]  }
0x89: {  	s3 =	sld [smem:$0x3FFE];
	_ =	sdelay $0x1  }
0x8a: {  	s1 =	srdreg.scid  }
0x8b: {  	s0 =	sand.u32 $0x1, s1  }
0x8c: {  	s17 =	sshll.u32 s0, $0xA;
	s2 =	sadd.s32 s3, s2  }
0x8d: {  	s2 =	sadd.s32 s2, s17  }
0x8e: {  	[smem:$0x3FBD] =	sst s2  }
0x8f: {  	_ = 	snop  }
0x90: {  	s2 =	sld [smem:$0x3FD0];
	(tm) =	ssettm $0x1  }
0x91: {  	s18 =	sld [smem:$0x3FFB];
	_ =	sdelay $0x3  }
0x92: {  	_ =	strace s18  }
0x93: {  	s3 =	sld [smem:$0x3FFC];
	_ =	sdelay $0x3  }
0x94: {  	_ =	strace s3  }
0x95: {  	s3 =	sld [smem:$0x3FFD];
	_ =	sdelay $0x3  }
0x96: {  	_ =	strace s3  }
0x97: {  	_ =	strace $0x8FFFFFFF  }
0x98: {  	s19 =	sld [smem:$0x3FDB];
	_ =	sdelay $0x1  }
0x99: {  	s4 =	simm.s32 $_scs_section_size  }
0x9a: {  	s5 =	simm.s32 $_size__tile_overlayer_lowered;
	s6 =	simm.s32 $_tile_overlayer_lowered  }
0x9b: {  	s22 =	simm.s32 $0x1BFF;
	s21 =	sshll.u32 s6, $0x1;
	s3 =	sadd.s32 s4, s19  }
0x9c: {  	s7 =	simm.s32 $0x0;
	s20 =	sshll.u32 s5, $0x1;
	s5 =	sadd.s32 s21, s3  }
0x9d: {  	[timem:s7], [sflag:s22] =	dma.local [hbm:s5], s20  }
0x9e: {  	_ =	swait.ge [sflag:s22], s20  }
0x9f: {  	s4 =	ssub.s32 $0x0, s20;
	[sflag:s22] =	ssyncset.done $0x0  }
0xa0: {  	[sflag:s22] =	ssyncadd.s32 s4;
	_ =	sdelay $0x1  }
0xa1: {  	s23 =	simm.s32 $0x1B8B  }
0xa2: {  	_ =	swait.ge [sflag:s23], $0x1  }
0xa3: {  	[sflag:s23] =	ssyncset.done $0x0  }
0xa4: {  	s25 =	simm.s32 $0x1B8E;
	s24 =	sld [smem:$0x3FFE];
	[sflag:s23] =	ssyncadd.s32 $0xFFFFFFFF  }
0xa5: {  	s26 =	simm.s32 $execute0_lowered;
	[smem:$0x3FD2] =	sst s25  }
0xa6: {  	s5 =	sshll.u32 s26, $0x1;
	_ =	strace $0x8000004C;
	[dreg:$0x1] =	wrdreg $0xFFFFFFFF  }
0xa7: {  	s28 =	simm.s32 $_size_execute0_lowered;
	s3 =	sadd.s32 s3, s5;
	[dreg:$0x0] =	wrdreg $0x0  }
0xa8: {  	s5 =	sshll.u32 s28, $0x1;
	[dreg:$0x2] =	wrdreg s3  }
0xa9: {  	[dreg:$0x3] =	wrdreg s5  }
0xaa: {  	[dreg:$0x4] =	wrdreg $0xC0  }
0xab: {  	_ =	task [dreg:s7], $0x5FFFF  }
0xac: {  	[dreg:$0x1] =	wrdreg $0xFFFFFFFF  }
0xad: {  	[dreg:$0x0] =	wrdreg $0x60  }
0xae: {  	[dreg:$0x2] =	wrdreg s24  }
0xaf: {  	[dreg:$0x3] =	wrdreg s2  }
0xb0: {  	[dreg:$0x4] =	wrdreg $0x9  }
0xb1: {  	_ =	task.clear_ibuf [dreg:s7], $0x5FFFF;
	_ =	strace $0x9000004C  }
0xb2: {  	s29 =	simm.s32 $0x9;
	_ =	strace $0x8000004E  }
0xb3: {  	_ =	swait.ge [sflag:s29], $0x1  }
0xb4: {  	[sflag:s29] =	ssyncadd.s32 $0xFFFFFFFF  }
0xb5: {  	_ =	strace $0x9000004E  }
0xb6: {  	_ =	sfence  }
0xb7: {  	s30 =	sld [smem:$0x0];
	_ =	sdelay $0x2  }
0xb8: {  	s31 =	sshll.u32 s1, $0xD;
	s1 =	sshrl.u32 s1, $0x2  }
0xb9: {  	s3 =	sand.u32 $0x4000, s31;
	s1 =	sadd.s32 s1, s30  }
0xba: {  	s0 =	sor.u32 s3, s0;
	s1 =	sshll.u32 s1, $0x11  }
0xbb: {  	s0 =	sor.u32 s1, s0  }
0xbc: {  	s0 =	sadd.s32 $0x8F2B, s0  }
0xbd: {  	[sflag:s0] =	ssyncadd.remote.s32 $0x1  }
0xbe: {  	_ =	sfence.sel $0xFFFF  }
0xbf: {  	[dreg:$0x0] =	wrdreg $0xFFFFFFFF;
	(pc) =	sbr.abs _section_cstart, $3  }
0xc0: {  	[dreg:$0x1] =	wrdreg $0xFFFFFFFF  }
0xc1: {  	_ =	task.clear_ibuf [dreg:s7], $0x2FFFF;
	_ =	strace $0x9FFFFFFF  }
0xc2: {  	(tm) =	ssettm $0x7FFFFFFF  }
0xc3: {  	_ =	shalt  }
tec
execute0_lowered:
.L_overlay_start_1:
0x0: {  	(tag) =	ssettag $0x1  }
0x1: {  	s3 =	rddreg [dreg:$0x0]  }
0x2: {  	s4 =	rddreg [dreg:$0x1]  }
0x3: {  	s0 =	rddreg [dreg:$0x2];
	s5 =	srdreg.scid  }
0x4: {  	s1 =	stileid.u32;
	s2 =	simm.s32 $0x0;
	s8 =	simm.s32 $0x1  }
0x5: {  	s9 =	simm.s32 $0x1000;
	s5 =	sand.u32 $0x1, s5;
	s6 =	sshll.u32 s1, $0x1  }
0x6: {  	s10 =	simm.s32 $0x0;
	[smem:$0x7FF] =	sst s2;
	s6 =	sor.u32 s5, s6  }
0x7: {  	_ =	strace $0x8000004D;
	s5 =	ssub.s32 $0x2, s5;
	s7 =	sshll.u32 s6, $0x7  }
0x8: {  	s31 =	sshrl.u32 s5, $0x1;
	s6 =	sshll.u32 s6, $0x4;
	s3 =	sadd.s32 s7, s3  }
0x9: {  	s5 =	ssub.s32 s5, s31;
	s4 =	sadd.s32 s4, s6;
	s6 =	simm.s32 $0x400  }
0xa: {  	s7 =	simm.s32 $0x8000;
	s3 =	sadd.s32 $0x9400, s3;
	s5 =	smax.u32 s5, $0x1  }
.LBB2_1:
0xb: {  	[tilespmem:s2], [sflag:$0x1] =	stream.strided.gather [hbm4b:s3+s6], $0x1000, s7, s6, $0x38;
	[tilespmem:$0x1080] =	vst v63  }
0xc: {  	_ =	swait.ge [sflag:s8], $0x1000  }
0xd: {  	[sflag:s8] =	ssyncset.done $0x0  }
0xe: {  	s12 =	simm.s32 $0x0;
	[sflag:s8] =	ssyncadd.s32 $0xFFFFF000  }
0xf: {  	v0 =	vld [tilespmem:s12+$0x0]  }
0x10: {  	v1 =	vld [tilespmem:s12+$0x80];
	_ =	sdelay $0x1  }
0x11: {  	v2 =	vld [tilespmem:s12+$0x100];
	_ =	sdelay $0x1  }
0x12: {  	v3 =	vld [tilespmem:s12+$0x180]  }
0x13: {  	v0 =	vadd.f32 v1, v0  }
0x14: {  	v1 =	vld [tilespmem:s12+$0x200]  }
0x15: {  	v0 =	vadd.f32 v2, v0  }
0x16: {  	v2 =	vld [tilespmem:s12+$0x280]  }
0x17: {  	v0 =	vadd.f32 v3, v0  }
0x18: {  	v3 =	vld [tilespmem:s12+$0x300]  }
0x19: {  	v0 =	vadd.f32 v1, v0  }
0x1a: {  	v1 =	vld [tilespmem:s12+$0x380]  }
0x1b: {  	v0 =	vadd.f32 v2, v0  }
0x1c: {  	v2 =	vld [tilespmem:s12+$0x400]  }
0x1d: {  	v0 =	vadd.f32 v3, v0  }
0x1e: {  	v3 =	vld [tilespmem:s12+$0x480]  }
0x1f: {  	v0 =	vadd.f32 v1, v0  }
0x20: {  	v1 =	vld [tilespmem:s12+$0x500]  }
0x21: {  	v0 =	vadd.f32 v2, v0  }
0x22: {  	v2 =	vld [tilespmem:s12+$0x580]  }
0x23: {  	v0 =	vadd.f32 v3, v0  }
0x24: {  	v3 =	vld [tilespmem:s12+$0x600]  }
0x25: {  	v0 =	vadd.f32 v1, v0  }
0x26: {  	v1 =	vld [tilespmem:s12+$0x680]  }
0x27: {  	v0 =	vadd.f32 v2, v0  }
0x28: {  	v2 =	vld [tilespmem:s12+$0x700]  }
0x29: {  	v0 =	vadd.f32 v3, v0  }
0x2a: {  	s11 =	simm.s32 $0x10;
	v3 =	vld [tilespmem:s12+$0x780]  }
0x2b: {  	v4 =	vld [tilespmem:s11+$0x0];
	v0 =	vadd.f32 v1, v0  }
0x2c: {  	v1 =	vld [tilespmem:s12+$0x800]  }
0x2d: {  	v5 =	vld [tilespmem:s11+$0x80];
	v0 =	vadd.f32 v2, v0  }
0x2e: {  	v2 =	vld [tilespmem:s12+$0x880]  }
0x2f: {  	v6 =	vld [tilespmem:s11+$0x100];
	v0 =	vadd.f32 v3, v0  }
0x30: {  	v3 =	vld [tilespmem:s12+$0x900]  }
0x31: {  	v7 =	vld [tilespmem:s11+$0x180];
	v0 =	vadd.f32 v1, v0  }
0x32: {  	v1 =	vld [tilespmem:s12+$0x980]  }
0x33: {  	v4 =	vadd.f32 v5, v4;
	v5 =	vld [tilespmem:s11+$0x200];
	v0 =	vadd.f32 v2, v0  }
0x34: {  	v2 =	vld [tilespmem:s12+$0xA00]  }
0x35: {  	v4 =	vadd.f32 v6, v4;
	v6 =	vld [tilespmem:s11+$0x280];
	v0 =	vadd.f32 v3, v0  }
0x36: {  	v3 =	vld [tilespmem:s12+$0xA80]  }
0x37: {  	v4 =	vadd.f32 v7, v4;
	v7 =	vld [tilespmem:s11+$0x300];
	v0 =	vadd.f32 v1, v0  }
0x38: {  	v1 =	vld [tilespmem:s12+$0xB00]  }
0x39: {  	v4 =	vadd.f32 v5, v4;
	v5 =	vld [tilespmem:s11+$0x380];
	v0 =	vadd.f32 v2, v0  }
0x3a: {  	v2 =	vld [tilespmem:s12+$0xB80]  }
0x3b: {  	v4 =	vadd.f32 v6, v4;
	v6 =	vld [tilespmem:s11+$0x400];
	v0 =	vadd.f32 v3, v0  }
0x3c: {  	v3 =	vld [tilespmem:s12+$0xC00]  }
0x3d: {  	v4 =	vadd.f32 v7, v4;
	v7 =	vld [tilespmem:s11+$0x480];
	v0 =	vadd.f32 v1, v0  }
0x3e: {  	v1 =	vld [tilespmem:s12+$0xC80]  }
0x3f: {  	v4 =	vadd.f32 v5, v4;
	v5 =	vld [tilespmem:s11+$0x500];
	v0 =	vadd.f32 v2, v0  }
0x40: {  	v2 =	vld [tilespmem:s12+$0xD00]  }
0x41: {  	v4 =	vadd.f32 v6, v4;
	v6 =	vld [tilespmem:s11+$0x580];
	v0 =	vadd.f32 v3, v0  }
0x42: {  	v3 =	vld [tilespmem:s12+$0xD80]  }
0x43: {  	v4 =	vadd.f32 v7, v4;
	v7 =	vld [tilespmem:s11+$0x600];
	v0 =	vadd.f32 v1, v0  }
0x44: {  	v1 =	vld [tilespmem:s12+$0xE00]  }
0x45: {  	v8 =	vld [tilespmem:s11+$0x680];
	v4 =	vadd.f32 v5, v4;
	v0 =	vadd.f32 v2, v0  }
0x46: {  	v5 =	vld [tilespmem:s12+$0xE80]  }
0x47: {  	v9 =	vld [tilespmem:s11+$0x700];
	v2 =	vadd.f32 v6, v4;
	v0 =	vadd.f32 v3, v0  }
0x48: {  	v6 =	vld [tilespmem:s12+$0xF00]  }
0x49: {  	v4 =	vadd.f32 v7, v2;
	v2 =	vld [tilespmem:s12+$0xF80];
	v1 =	vadd.f32 v1, v0  }
0x4a: {  	v3 =	vld [tilespmem:s11+$0x780]  }
0x4b: {  	s13 =	simm.s32 $0x20;
	v7 =	vadd.f32 v8, v4;
	v0 =	vld [tilespmem:s11+$0x800];
	v8 =	vadd.f32 v5, v1  }
0x4c: {  	v4 =	vld [tilespmem:s13+$0x80]  }
0x4d: {  	s14 =	simm.s32 $0xC0;
	v1 =	vld [tilespmem:s13+$0x0];
	v5 =	vadd.f32 v9, v7;
	v6 =	vadd.f32 v6, v8  }
.LBB2_2:
0x4e: {  	p0 =	sne.s32 s14, $0x1C0;
	v7 =	vld [tilespmem:s11+$0x880]  }
0x4f: {  	v8 =	vld [tilespmem:s13+$0x100];
	v3 =	vadd.f32 v3, v5;
	v2 =	vadd.f32 v2, v6  }
0x50: {  	v5 =	vld [tilespmem:s11+$0x900]  }
0x51: {  	v6 =	vld [tilespmem:s13+$0x180];
	v0 =	vadd.f32 v0, v3;
	v2 =	vsub.f32 $0.0e+00, v2  }
0x52: {  	v1 =	vadd.f32 v4, v1;
	v3 =	vld [tilespmem:s11+$0x980]  }
0x53: {  	v4 =	vld [tilespmem:s13+$0x200];
	v0 =	vadd.f32 v7, v0;
	v2 =	vmul.f32 $1.442695020e+00, v2  }
0x54: {  	v1 =	vadd.f32 v8, v1;
	v7 =	vld [tilespmem:s11+$0xA00]  }
0x55: {  	v8 =	vld [tilespmem:s13+$0x280];
	v0 =	vadd.f32 v5, v0;
	(erf) = vpow2.f32 v2  }
0x56: {  	v1 =	vadd.f32 v6, v1;
	v2 =	vld [tilespmem:s11+$0xA80]  }
0x57: {  	v5 =	vld [tilespmem:s13+$0x300];
	v0 =	vadd.f32 v3, v0  }
0x58: {  	v1 =	vadd.f32 v4, v1;
	v3 =	vld [tilespmem:s11+$0xB00]  }
0x59: {  	v4 =	vld [tilespmem:s13+$0x380];
	v0 =	vadd.f32 v7, v0  }
0x5a: {  	v1 =	vadd.f32 v8, v1;
	v6 =	vld [tilespmem:s11+$0xB80]  }
0x5b: {  	v0 =	vadd.f32 v2, v0;
	v2 =	vld [tilespmem:s11+$0xC00]  }
0x5c: {  	v1 =	vadd.f32 v5, v1;
	v5 =	vld [tilespmem:s13+$0x400]  }
0x5d: {  	v0 =	vadd.f32 v3, v0;
	v3 =	vld [tilespmem:s11+$0xC80]  }
0x5e: {  	v1 =	vadd.f32 v4, v1;
	v4 =	vld [tilespmem:s13+$0x480];
	v7 =	vpop (erf)  }
0x5f: {  	v0 =	vadd.f32 v6, v0;
	v6 =	vld [tilespmem:s11+$0xD00];
	v7 =	vsub.f32 $1.000000000e+00, v7  }
0x60: {  	v8 =	vld [tilespmem:s13+$0x500]  }
0x61: {  	v1 =	vadd.f32 v5, v1;
	v0 =	vadd.f32 v2, v0;
	v2 =	vld [tilespmem:s11+$0xD80];
	[tilespmem:s12+$0x1000] =	vst v7;
	s12 =	smov.u32 s11;
	s11 =	smov.u32 s13  }
0x62: {  	v5 =	vld [tilespmem:s11+$0x580]  }
0x63: {  	v1 =	vadd.f32 v4, v1;
	v0 =	vadd.f32 v3, v0;
	v3 =	vld [tilespmem:s12+$0xE00]  }
0x64: {  	v4 =	vld [tilespmem:s11+$0x600]  }
0x65: {  	v1 =	vadd.f32 v8, v1;
	v0 =	vadd.f32 v6, v0;
	v6 =	vld [tilespmem:s12+$0xE80]  }
0x66: {  	v7 =	vld [tilespmem:s11+$0x680]  }
0x67: {  	v1 =	vadd.f32 v5, v1;
	v0 =	vadd.f32 v2, v0;
	v8 =	vld [tilespmem:s12+$0xF00]  }
0x68: {  	v5 =	vld [tilespmem:s11+$0x700]  }
.Ltmp0:
0x69: {  	v1 =	vadd.f32 v4, v1;
	v4 =	vadd.f32 v3, v0;
	v2 =	vld [tilespmem:s12+$0xF80];
	(pc) =	sbr.rel @p0 .LBB2_2-.Ltmp0, $4  }
0x6a: {  	v3 =	vld [tilespmem:s11+$0x780]  }
0x6b: {  	s13 =	sshra.s32 s14, $0x2;
	v7 =	vadd.f32 v7, v1;
	v0 =	vld [tilespmem:s11+$0x800];
	v6 =	vadd.f32 v6, v4  }
0x6c: {  	v1 =	vld [tilespmem:s13+$0x0]  }
0x6d: {  	s14 =	sadd.s32 $0x40, s14;
	v4 =	vld [tilespmem:s13+$0x80];
	v5 =	vadd.f32 v5, v7;
	v6 =	vadd.f32 v8, v6  }
0x6e: {  	v7 =	vld [tilespmem:s11+$0x880]  }
0x6f: {  	v8 =	vld [tilespmem:s13+$0x100];
	v2 =	vadd.f32 v2, v6  }
0x70: {  	v22 =	vld [tilespmem:s11+$0x900];
	v3 =	vadd.f32 v3, v5  }
0x71: {  	v23 =	vld [tilespmem:s13+$0x180];
	v2 =	vsub.f32 $0.0e+00, v2  }
0x72: {  	v9 =	vld [tilespmem:s11+$0x980];
	v0 =	vadd.f32 v0, v3  }
0x73: {  	v24 =	vld [tilespmem:s13+$0x200];
	v1 =	vadd.f32 v4, v1;
	v2 =	vmul.f32 $1.442695020e+00, v2  }
0x74: {  	v25 =	vld [tilespmem:s11+$0xA00];
	v0 =	vadd.f32 v7, v0  }
0x75: {  	v26 =	vld [tilespmem:s13+$0x280];
	v1 =	vadd.f32 v8, v1;
	(erf) = vpow2.f32 v2  }
0x76: {  	v27 =	vld [tilespmem:s11+$0xA80];
	v0 =	vadd.f32 v22, v0  }
0x77: {  	v28 =	vld [tilespmem:s13+$0x300];
	v1 =	vadd.f32 v23, v1  }
0x78: {  	v29 =	vld [tilespmem:s11+$0xB00];
	v0 =	vadd.f32 v9, v0  }
0x79: {  	v30 =	vld [tilespmem:s13+$0x380];
	v1 =	vadd.f32 v24, v1  }
0x7a: {  	v31 =	vld [tilespmem:s11+$0xB80];
	v0 =	vadd.f32 v25, v0  }
0x7b: {  	v32 =	vld [tilespmem:s11+$0xC00];
	v1 =	vadd.f32 v26, v1  }
0x7c: {  	v33 =	vld [tilespmem:s13+$0x400];
	v0 =	vadd.f32 v27, v0  }
0x7d: {  	v34 =	vld [tilespmem:s11+$0xC80];
	v1 =	vadd.f32 v28, v1  }
0x7e: {  	v35 =	vld [tilespmem:s13+$0x480];
	v0 =	vadd.f32 v29, v0;
	v36 =	vpop (erf)  }
0x7f: {  	v37 =	vld [tilespmem:s11+$0xD00];
	v1 =	vadd.f32 v30, v1;
	v5 =	vsub.f32 $1.000000000e+00, v36  }
0x80: {  	v38 =	vld [tilespmem:s13+$0x500]  }
0x81: {  	v10 =	vld [tilespmem:s11+$0xD80];
	v0 =	vadd.f32 v31, v0;
	v1 =	vadd.f32 v33, v1;
	[tilespmem:s12+$0x1000] =	vst v5  }
0x82: {  	v39 =	vld [tilespmem:s13+$0x580]  }
0x83: {  	v0 =	vadd.f32 v32, v0;
	v1 =	vadd.f32 v35, v1  }
0x84: {  	v40 =	vld [tilespmem:s13+$0x600]  }
0x85: {  	v41 =	vld [tilespmem:s11+$0xE00];
	v0 =	vadd.f32 v34, v0;
	v1 =	vadd.f32 v38, v1  }
0x86: {  	v5 =	vld [tilespmem:s13+$0x680]  }
0x87: {  	v42 =	vld [tilespmem:s11+$0xE80];
	v0 =	vadd.f32 v37, v0;
	v1 =	vadd.f32 v39, v1  }
0x88: {  	v43 =	vld [tilespmem:s13+$0x700]  }
0x89: {  	v44 =	vld [tilespmem:s11+$0xF00];
	v0 =	vadd.f32 v10, v0;
	v1 =	vadd.f32 v40, v1  }
0x8a: {  	v45 =	vld [tilespmem:s13+$0x780]  }
0x8b: {  	v46 =	vld [tilespmem:s11+$0xF80];
	v0 =	vadd.f32 v41, v0;
	v1 =	vadd.f32 v5, v1  }
0x8c: {  	v47 =	vld [tilespmem:s13+$0x800]  }
0x8d: {  	v0 =	vadd.f32 v42, v0;
	v1 =	vadd.f32 v43, v1  }
0x8e: {  	v48 =	vld [tilespmem:s13+$0x880]  }
0x8f: {  	v0 =	vadd.f32 v44, v0;
	v1 =	vadd.f32 v45, v1  }
0x90: {  	v49 =	vld [tilespmem:s13+$0x900]  }
0x91: {  	v0 =	vadd.f32 v46, v0;
	v1 =	vadd.f32 v47, v1  }
0x92: {  	v50 =	vld [tilespmem:s13+$0x980]  }
0x93: {  	v0 =	vsub.f32 $0.0e+00, v0;
	v1 =	vadd.f32 v48, v1  }
0x94: {  	v51 =	vld [tilespmem:s13+$0xA00]  }
0x95: {  	v0 =	vmul.f32 $1.442695020e+00, v0;
	v1 =	vadd.f32 v49, v1  }
0x96: {  	v52 =	vld [tilespmem:s13+$0xA80]  }
0x97: {  	(erf) = vpow2.f32 v0;
	v53 =	vadd.f32 v50, v1  }
0x98: {  	v54 =	vld [tilespmem:s13+$0xB00]  }
0x99: {  	v0 =	vadd.f32 v51, v53  }
0x9a: {  	v55 =	vld [tilespmem:s13+$0xB80]  }
0x9b: {  	v0 =	vadd.f32 v52, v0  }
0x9c: {  	v56 =	vld [tilespmem:s13+$0xC00]  }
0x9d: {  	v0 =	vadd.f32 v54, v0  }
0x9e: {  	v57 =	vld [tilespmem:s13+$0xC80]  }
0x9f: {  	v0 =	vadd.f32 v55, v0  }
0xa0: {  	v59 =	vld [tilespmem:s13+$0xD00];
	v58 =	vpop (erf)  }
0xa1: {  	v2 =	vsub.f32 $1.000000000e+00, v58;
	v0 =	vadd.f32 v56, v0  }
0xa2: {  	v60 =	vld [tilespmem:s13+$0xD80]  }
0xa3: {  	[tilespmem:s11+$0x1000] =	vst v2;
	v0 =	vadd.f32 v57, v0  }
0xa4: {  	v61 =	vld [tilespmem:s13+$0xE00]  }
0xa5: {  	v0 =	vadd.f32 v59, v0  }
0xa6: {  	v2 =	vld [tilespmem:s13+$0xE80]  }
0xa7: {  	v0 =	vadd.f32 v60, v0  }
0xa8: {  	v62 =	vld [tilespmem:s13+$0xF00]  }
0xa9: {  	v0 =	vadd.f32 v61, v0  }
0xaa: {  	v63 =	vld [tilespmem:s13+$0xF80]  }
0xab: {  	v0 =	vadd.f32 v2, v0;
	_ =	sdelay $0x1  }
0xac: {  	v0 =	vadd.f32 v62, v0;
	_ =	sdelay $0x1  }
0xad: {  	v0 =	vadd.f32 v63, v0;
	_ =	sdelay $0x1  }
0xae: {  	v0 =	vsub.f32 $0.0e+00, v0;
	_ =	sdelay $0x1  }
0xaf: {  	v0 =	vmul.f32 $1.442695020e+00, v0;
	_ =	sdelay $0x1  }
0xb0: {  	(erf) = vpow2.f32 v0;
	_ =	sdelay $0x8  }
0xb1: {  	v0 =	vpop (erf)  }
0xb2: {  	s10 =	sadd.s32 $0x1, s10;
	v0 =	vsub.f32 $1.000000000e+00, v0  }
0xb3: {  	p0 =	sne.s32 s10, s5  }
.Ltmp1:
0xb4: {  	[tilespmem:s13+$0x1000] =	vst v0;
	(pc) =	sbr.rel @p0 .LBB2_1-.Ltmp1, $4  }
0xb5: {  	[hbm4b:s4+s2] =	stream.linear.scatter [tilespmem:s9], [sflag:$0x1], $0x80, $0x38;
	[tilespmem:$0x1080] =	vst v63  }
0xb6: {  	_ =	swait.ge [sflag:s8], $0x80  }
0xb7: {  	[sflag:s8] =	ssyncset.done $0x0  }
0xb8: {  	[sflag:s8] =	ssyncadd.s32 $0xFFFFFF80  }
0xb9: {  	_ =	sfence.sel $0x180000  }
0xba: {  	[bflag:$0x0] =	sbarrier.arrive $0xFFFF  }
0xbb: {  	p0 =	sne.s32 s1, $0x0;
	_ =	strace $0x9000004D  }
0xbc: {  	s0 =	sadd.s32 @!p0 $0x100000, s0;
	[bflag:$0x2] =	sbarrier.arrive $0xFFFF  }
0xbd: {  	[sflag:s0] =	ssyncadd.tile.s32 @!p0 $0x1;
	_ =	shalt  }
.Lfunc_end2:
_tile_overlayer_lowered:
.L_overlay_start_2:
0xbe: {  	(tag) =	ssettag $0x2  }
0xbf: {  	s0 =	rddreg [dreg:$0x0];
	s2 =	stileid.u32  }
0xc0: {  	s1 =	rddreg [dreg:$0x1];
	p0 =	sne.s32 s2, $0x0  }
0xc1: {  	s3 =	rddreg [dreg:$0x2];
	[bflag:$0x3] =	sbarrier.arrive $0xFFFF;
	s2 =	simm.s32 @!p0 $0x1C01  }
0xc2: {  	[timem:s3], [sflag:s2] =	dma.local @!p0 [hbm:s0], s1  }
0xc3: {  	s0 =	simm.s32 @!p0 $0x1  }
0xc4: {  	_ =	swait.ge @!p0 [sflag:s0], s1  }
0xc5: {  	s1 =	ssub.s32 @!p0 $0x0, s1;
	[sflag:s0] =	ssyncset.done @!p0 $0x0  }
0xc6: {  	[sflag:s0] =	ssyncadd.s32 @!p0 s1  }
0xc7: {  	[bflag:$0x3] =	sbarrier.arrive $0xFFFF  }
0xc8: {  	_ =	shalt  }

// kernel: kernel.6.cloned.1.call-start
scs
__scs_entry_jumppad:
0x0: {  	(pc) =	sbr.rel $0x88, $3  }
0x1: {  	(tag) =	ssettag $0x0;
	lr =	simm.s32 $0x1  }
0x2: {  	[smem:$0x3F96] =	sst lr;
	_ =	strace $0xD0000000  }
0x3: {  	_ = 	snop  }
0x4: {  	_ = 	snop  }
0x5: {  	_ = 	snop  }
0x6: {  	_ = 	snop  }
0x7: {  	_ = 	snop  }
__scs_overlays_trampoline_lowered:
0x8: {  	[smem:$0x3FA5] =	sst s0  }
0x9: {  	[smem:$0x3FA6] =	sst s1  }
0xa: {  	[smem:$0x3FA7] =	sst s2  }
0xb: {  	[smem:$0x3FA8] =	sst s3  }
0xc: {  	[smem:$0x3FA9] =	sst s4  }
0xd: {  	[smem:$0x3FAA] =	sst s5  }
0xe: {  	[smem:$0x3FAB] =	sst s6  }
0xf: {  	[smem:$0x3FAC] =	sst s7  }
0x10: {  	[smem:$0x3FAD] =	sst s8  }
0x11: {  	[smem:$0x3FAE] =	sst s9;
	s0 =	simm.s32 @!p0 $0x0  }
0x12: {  	s1 =	sld [smem:$0x3F94];
	s0 =	simm.s32 @p0 $0x1  }
0x13: {  	[smem:$0x3FAF] =	sst s0;
	s0 =	simm.s32 @!p1 $0x0  }
0x14: {  	s2 =	sld [smem:$0x3F93];
	s0 =	simm.s32 @p1 $0x1  }
0x15: {  	[smem:$0x3FB0] =	sst s0;
	s0 =	simm.s32 @!p2 $0x0  }
0x16: {  	s3 =	sld [smem:$0x3FDB];
	s0 =	simm.s32 @p2 $0x1  }
0x17: {  	s4 =	simm.s32 $0x1BF5;
	[smem:$0x3FB2] =	sst s0  }
0x18: {  	s0 =	sld [smem:$0x3F95];
	_ =	swait.ge [sflag:s4], $0x0  }
0x19: {  	s7 =	sld [smem:$0x3F96]  }
0x1a: {  	s8 =	sadd.s32 $0xFFFFE003, lr  }
0x1b: {  	s9 =	sadd.s32 $0xFFFFFEF7, lr;
	s5 =	simm.s32 $0xFFFFFFFF;
	p2 =	slt.u32 s8, $0xFFFFF086  }
0x1c: {  	p1 =	slt.u32 s9, $0xF7A;
	s5 =	simm.s32 @!p2 $0x0  }
0x1d: {  	s5 =	simm.s32 @p1 $0x1;
	p0 =	seq.s32 s7, s2  }
0x1e: {  	s7 =	smul.u32 @!p0 $0xF7A, s2;
	p2 =	seq.s32 @!p0 s5, $0x0  }
0x1f: {  	s9 =	smul.u32 $0xF7A, s1;
	s8 =	simm.s32 @!p0 $0x1BF5;
	p2 =	por !p2, p0  }
0x20: {  	[sflag:s8] =	ssyncset.s32 @!p0 $0xFFFFF086;
	s6 =	sadd.s32 @!p0 s3, s7;
	s7 =	simm.s32 @!p0 $0x108  }
0x21: {  	s3 =	sadd.s32 s3, s9;
	s6 =	sadd.s32 @!p0 $0x88, s6;
	s7 =	simm.s32 @p2 $0x1082  }
0x22: {  	[simem:s7], [sflag:s8] =	dma.local @!p0 [hbm:s6], $0xF7A  }
0x23: {  	s9 =	sor.u32 $0xD0000000, s2;
	s6 =	simm.s32 $0x108;
	_ =	swait.ge @!p0 [sflag:s8], $0x0  }
0x24: {  	s3 =	sadd.s32 $0x88, s3;
	s6 =	simm.s32 @!p1 $0x1082;
	[sflag:s4] =	ssyncset.s32 $0xFFFFF086  }
0x25: {  	[simem:s6], [sflag:s4] =	dma.local [hbm:s3], $0xF7A  }
0x26: {  	[smem:$0x3F96] =	sst s1;
	(tag) =	ssettag s2;
	_ =	strace s9  }
0x27: {  	s1 =	sld [smem:$0x3FA6]  }
0x28: {  	s2 =	sld [smem:$0x3FA7]  }
0x29: {  	s4 =	sld [smem:$0x3FA9]  }
0x2a: {  	p0 =	seq.s32 s5, $0x0;
	s5 =	sld [smem:$0x3FAA]  }
0x2b: {  	s6 =	sld [smem:$0x3FAB]  }
0x2c: {  	s7 =	sld [smem:$0x3FAC]  }
0x2d: {  	s3 =	simm.s32 $0x108;
	s8 =	sld [smem:$0x3FAD]  }
0x2e: {  	s3 =	simm.s32 @!p0 $0x1082;
	s9 =	sld [smem:$0x3FAE]  }
0x2f: {  	lr =	sadd.s32 s0, s3;
	s0 =	sld [smem:$0x3FA5]  }
0x30: {  	s3 =	sld [smem:$0x3FA8]  }
0x31: {  	[smem:$0x3FB1] =	sst s10  }
0x32: {  	s10 =	sld [smem:$0x3FAF];
	_ =	sdelay $0x3  }
0x33: {  	p0 =	seq.s32 s10, $0x1;
	s10 =	sld [smem:$0x3FB1];
	_ =	sdelay $0x3  }
0x34: {  	[smem:$0x3FB1] =	sst s10  }
0x35: {  	s10 =	sld [smem:$0x3FB0];
	_ =	sdelay $0x3  }
0x36: {  	p1 =	seq.s32 s10, $0x1;
	s10 =	sld [smem:$0x3FB1];
	_ =	sdelay $0x3  }
0x37: {  	[smem:$0x3FB1] =	sst s10  }
0x38: {  	s10 =	sld [smem:$0x3FB2]  }
0x39: {  	_ = 	snop;
	(pc) =	sbr.ind lr, $3  }
0x3a: {  	_ = 	snop  }
0x3b: {  	_ = 	snop  }
0x3c: {  	p2 =	seq.s32 s10, $0x1;
	s10 =	sld [smem:$0x3FB1]  }
0x3d: {  	_ =	shalt  }
0x3e: {  	_ =	shalt  }
0x3f: {  	_ =	shalt  }
0x40: {  	_ =	shalt  }
0x41: {  	_ =	shalt  }
0x42: {  	_ =	shalt  }
0x43: {  	_ =	shalt  }
0x44: {  	_ =	shalt  }
0x45: {  	_ =	shalt  }
0x46: {  	_ =	shalt  }
0x47: {  	_ =	shalt  }
0x48: {  	_ =	shalt  }
0x49: {  	_ =	shalt  }
0x4a: {  	_ =	shalt  }
0x4b: {  	_ =	shalt  }
0x4c: {  	_ =	shalt  }
0x4d: {  	_ =	shalt  }
0x4e: {  	_ =	shalt  }
0x4f: {  	_ =	shalt  }
0x50: {  	_ =	shalt  }
0x51: {  	_ =	shalt  }
0x52: {  	_ =	shalt  }
0x53: {  	_ =	shalt  }
0x54: {  	_ =	shalt  }
0x55: {  	_ =	shalt  }
0x56: {  	_ =	shalt  }
0x57: {  	_ =	shalt  }
0x58: {  	_ =	shalt  }
0x59: {  	_ =	shalt  }
0x5a: {  	_ =	shalt  }
0x5b: {  	_ =	shalt  }
0x5c: {  	_ =	shalt  }
0x5d: {  	_ =	shalt  }
0x5e: {  	_ =	shalt  }
0x5f: {  	_ =	shalt  }
0x60: {  	_ =	shalt  }
0x61: {  	_ =	shalt  }
0x62: {  	_ =	shalt  }
0x63: {  	_ =	shalt  }
0x64: {  	_ =	shalt  }
0x65: {  	_ =	shalt  }
0x66: {  	_ =	shalt  }
0x67: {  	_ =	shalt  }
0x68: {  	_ =	shalt  }
0x69: {  	_ =	shalt  }
0x6a: {  	_ =	shalt  }
0x6b: {  	_ =	shalt  }
0x6c: {  	_ =	shalt  }
0x6d: {  	_ =	shalt  }
0x6e: {  	_ =	shalt  }
0x6f: {  	_ =	shalt  }
0x70: {  	_ =	shalt  }
0x71: {  	_ =	shalt  }
0x72: {  	_ =	shalt  }
0x73: {  	_ =	shalt  }
0x74: {  	_ =	shalt  }
0x75: {  	_ =	shalt  }
0x76: {  	_ =	shalt  }
0x77: {  	_ =	shalt  }
0x78: {  	_ =	shalt  }
0x79: {  	_ =	shalt  }
0x7a: {  	_ =	shalt  }
0x7b: {  	_ =	shalt  }
0x7c: {  	_ =	shalt  }
0x7d: {  	_ =	shalt  }
0x7e: {  	_ =	shalt  }
0x7f: {  	_ =	shalt  }
0x80: {  	_ =	shalt  }
0x81: {  	_ =	shalt  }
0x82: {  	_ =	shalt  }
0x83: {  	_ =	shalt  }
0x84: {  	_ =	shalt  }
0x85: {  	_ =	shalt  }
0x86: {  	_ =	shalt  }
0x87: {  	_ =	shalt  }
.Lfunc_end0:
.L_simem_size_0:
called_computation_lowered:
.L_overlay_start_0:
0x88: {  	s2 =	sld [smem:$0x3FD9]  }
0x89: {  	s3 =	sld [smem:$0x3FFE];
	_ =	sdelay $0x1  }
0x8a: {  	s1 =	srdreg.scid  }
0x8b: {  	s0 =	sand.u32 $0x1, s1  }
0x8c: {  	s17 =	sshll.u32 s0, $0xA;
	s2 =	sadd.s32 s3, s2  }
0x8d: {  	s2 =	sadd.s32 s2, s17  }
0x8e: {  	[smem:$0x3FBD] =	sst s2  }
0x8f: {  	_ = 	snop  }
0x90: {  	s2 =	sld [smem:$0x3FC7]  }
0x91: {  	s18 =	sld [smem:$0x3FC6]  }
0x92: {  	s4 =	sld [smem:$0x3FC5]  }
0x93: {  	s5 =	sld [smem:$0x3FD0];
	(tm) =	ssettm $0x1  }
0x94: {  	s6 =	sld [smem:$0x3FFB];
	_ =	sdelay $0x3  }
0x95: {  	_ =	strace s6  }
0x96: {  	s6 =	sld [smem:$0x3FFC];
	_ =	sdelay $0x3  }
0x97: {  	_ =	strace s6  }
0x98: {  	s6 =	sld [smem:$0x3FFD];
	_ =	sdelay $0x3  }
0x99: {  	_ =	strace s6  }
0x9a: {  	_ =	strace $0x8FFFFFFF  }
0x9b: {  	s19 =	sld [smem:$0x3FDB];
	_ =	sdelay $0x1  }
0x9c: {  	s7 =	simm.s32 $_scs_section_size  }
0x9d: {  	s8 =	simm.s32 $_size__tile_overlayer_lowered;
	s9 =	simm.s32 $_tile_overlayer_lowered  }
0x9e: {  	s22 =	simm.s32 $0x1BFF;
	s21 =	sshll.u32 s9, $0x1;
	s6 =	sadd.s32 s7, s19  }
0x9f: {  	s10 =	simm.s32 $0x0;
	s20 =	sshll.u32 s8, $0x1;
	s8 =	sadd.s32 s21, s6  }
0xa0: {  	[timem:s10], [sflag:s22] =	dma.local [hbm:s8], s20  }
0xa1: {  	_ =	swait.ge [sflag:s22], s20  }
0xa2: {  	s7 =	ssub.s32 $0x0, s20;
	[sflag:s22] =	ssyncset.done $0x0  }
0xa3: {  	[sflag:s22] =	ssyncadd.s32 s7;
	_ =	sdelay $0x1  }
0xa4: {  	s23 =	simm.s32 $0x1B8B  }
0xa5: {  	_ =	swait.ge [sflag:s23], $0x1  }
0xa6: {  	[sflag:s23] =	ssyncset.done $0x0  }
0xa7: {  	s25 =	simm.s32 $0x1B8E;
	s24 =	sld [smem:$0x3FFE];
	[sflag:s23] =	ssyncadd.s32 $0xFFFFFFFF  }
0xa8: {  	s26 =	simm.s32 $execute0_lowered;
	[smem:$0x3FD2] =	sst s25  }
0xa9: {  	s8 =	sshll.u32 s26, $0x1;
	_ =	strace $0x80000046;
	[dreg:$0x1] =	wrdreg $0xFFFFFFFF  }
0xaa: {  	s28 =	simm.s32 $_size_execute0_lowered;
	s6 =	sadd.s32 s6, s8;
	[dreg:$0x0] =	wrdreg $0x0  }
0xab: {  	s8 =	sshll.u32 s28, $0x1;
	[dreg:$0x2] =	wrdreg s6  }
0xac: {  	[dreg:$0x3] =	wrdreg s8  }
0xad: {  	[dreg:$0x4] =	wrdreg $0xC0  }
0xae: {  	_ =	task [dreg:s10], $0x5FFFF  }
0xaf: {  	[dreg:$0x1] =	wrdreg $0xFFFFFFFF  }
0xb0: {  	[dreg:$0x0] =	wrdreg $0x60  }
0xb1: {  	[dreg:$0x2] =	wrdreg s24  }
0xb2: {  	[dreg:$0x3] =	wrdreg s5  }
0xb3: {  	[dreg:$0x4] =	wrdreg s4  }
0xb4: {  	[dreg:$0x5] =	wrdreg s2  }
0xb5: {  	[dreg:$0x6] =	wrdreg s18  }
0xb6: {  	[dreg:$0x7] =	wrdreg $0x9  }
0xb7: {  	_ =	task.clear_ibuf [dreg:s10], $0x8FFFF;
	_ =	strace $0x90000046  }
0xb8: {  	s29 =	simm.s32 $0x9;
	_ =	strace $0x80000048  }
0xb9: {  	_ =	swait.ge [sflag:s29], $0x1  }
0xba: {  	[sflag:s29] =	ssyncadd.s32 $0xFFFFFFFF  }
0xbb: {  	_ =	strace $0x90000048  }
0xbc: {  	_ =	sfence  }
0xbd: {  	s30 =	sld [smem:$0x0];
	_ =	sdelay $0x2  }
0xbe: {  	s31 =	sshll.u32 s1, $0xD;
	s1 =	sshrl.u32 s1, $0x2  }
0xbf: {  	s3 =	sand.u32 $0x4000, s31;
	s1 =	sadd.s32 s1, s30  }
0xc0: {  	s0 =	sor.u32 s3, s0;
	s1 =	sshll.u32 s1, $0x11  }
0xc1: {  	s0 =	sor.u32 s1, s0  }
0xc2: {  	s0 =	sadd.s32 $0x8F2B, s0  }
0xc3: {  	[sflag:s0] =	ssyncadd.remote.s32 $0x1  }
0xc4: {  	_ =	sfence.sel $0xFFFF  }
0xc5: {  	[dreg:$0x0] =	wrdreg $0xFFFFFFFF;
	(pc) =	sbr.abs _section_cstart, $3  }
0xc6: {  	[dreg:$0x1] =	wrdreg $0xFFFFFFFF  }
0xc7: {  	_ =	task.clear_ibuf [dreg:s10], $0x2FFFF;
	_ =	strace $0x9FFFFFFF  }
0xc8: {  	(tm) =	ssettm $0x7FFFFFFF  }
0xc9: {  	_ =	shalt  }
tec
execute0_lowered:
.L_overlay_start_1:
0x0: {  	(tag) =	ssettag $0x1  }
0x1: {  	s0 =	rddreg [dreg:$0x0]  }
0x2: {  	s1 =	rddreg [dreg:$0x2]  }
0x3: {  	s4 =	rddreg [dreg:$0x3]  }
0x4: {  	s11 =	rddreg [dreg:$0x4]  }
0x5: {  	s2 =	simm.s32 $0x0;
	s8 =	srdreg.scid;
	s9 =	stileid.u32  }
0x6: {  	s17 =	simm.s32 $0x1000;
	s18 =	simm.s32 $0x2000;
	s19 =	simm.s32 $0x3000  }
0x7: {  	s20 =	simm.s32 $0x4000;
	s21 =	simm.s32 $0x5000;
	s25 =	simm.s32 $0x1  }
0x8: {  	s26 =	simm.s32 $0x80;
	s28 =	simm.s32 $0x400;
	[smem:$0x7FF] =	sst s2  }
0x9: {  	s3 =	sadd.s32 $0x1C00, s0;
	s5 =	sadd.s32 $0x1A00, s0;
	s6 =	sadd.s32 $0x1800, s0  }
0xa: {  	s7 =	sadd.s32 $0x1600, s0;
	s8 =	sand.u32 $0x1, s8;
	s9 =	sshll.u32 s9, $0xE  }
0xb: {  	_ =	strace $0x80000047;
	s10 =	sshll.u32 s8, $0xD;
	s12 =	ssub.s32 $0x2, s8  }
0xc: {  	s8 =	sadd.s32 $0x1400, s0;
	s9 =	sor.u32 s10, s9;
	s30 =	sshrl.u32 s12, $0x1  }
0xd: {  	s0 =	sadd.s32 s9, s0;
	s16 =	ssub.s32 s12, s30;
	s31 =	sshrl.u32 s9, $0x3  }
0xe: {  	s9 =	sadd.s32 s1, s31;
	s10 =	sadd.s32 s4, s31;
	s11 =	sadd.s32 s11, s31  }
0xf: {  	s12 =	sadd.s32 $0x1E00, s0;
	s13 =	sadd.s32 $0x1E10, s0;
	s14 =	sadd.s32 $0x1E20, s0  }
0x10: {  	s15 =	sadd.s32 $0x1E30, s0;
	s16 =	smax.u32 s16, $0x1;
	s4 =	simm.s32 $0x0  }
.LBB2_1:
0x11: {  	[tilespmem:s2], [sflag:$0x1] =	stream.linear.gather [hbm4b:s3+s2], $0x1000, $0x38;
	[tilespmem:$0x14000] =	vst v63  }
0x12: {  	_ = 	snop  }
0x13: {  	[tilespmem:s17], [sflag:$0x1] =	stream.linear.gather [hbm4b:s5+s2], $0x1000, $0x38;
	[tilespmem:$0x14000] =	vst v63  }
0x14: {  	s0 =	rddreg [dreg:$0x1]  }
0x15: {  	[tilespmem:s18], [sflag:$0x1] =	stream.linear.gather [hbm4b:s0+s2], $0x1000, $0x38;
	[tilespmem:$0x14000] =	vst v63  }
0x16: {  	_ = 	snop  }
0x17: {  	[tilespmem:s19], [sflag:$0x1] =	stream.linear.gather [hbm4b:s6+s2], $0x1000, $0x38;
	[tilespmem:$0x14000] =	vst v63  }
0x18: {  	_ = 	snop  }
0x19: {  	[tilespmem:s20], [sflag:$0x1] =	stream.linear.gather [hbm4b:s7+s2], $0x1000, $0x38;
	[tilespmem:$0x14000] =	vst v63  }
0x1a: {  	_ = 	snop  }
0x1b: {  	[tilespmem:s21], [sflag:$0x1] =	stream.linear.gather [hbm4b:s8+s2], $0x1000, $0x38;
	[tilespmem:$0x14000] =	vst v63  }
0x1c: {  	s1 =	simm.s32 $0x6000  }
0x1d: {  	[tilespmem:s1], [sflag:$0x1] =	stream.linear.gather [hbm4b:s9+s2], $0x2000, $0x38;
	[tilespmem:$0x14000] =	vst v63  }
0x1e: {  	s22 =	simm.s32 $0x8000  }
0x1f: {  	[tilespmem:s22], [sflag:$0x1] =	stream.linear.gather [hbm4b:s10+s2], $0x2000, $0x38;
	[tilespmem:$0x14000] =	vst v63  }
0x20: {  	s23 =	simm.s32 $0xA000  }
0x21: {  	[tilespmem:s23], [sflag:$0x1] =	stream.linear.gather [hbm4b:s11+s2], $0x2000, $0x38;
	[tilespmem:$0x14000] =	vst v63  }
0x22: {  	_ =	swait.ge [sflag:s25], $0x1000  }
0x23: {  	[sflag:s25] =	ssyncset.done $0x0  }
0x24: {  	[sflag:s25] =	ssyncadd.s32 $0xFFFFF000  }
0x25: {  	_ =	swait.ge [sflag:s25], $0x1000  }
0x26: {  	[sflag:s25] =	ssyncset.done $0x0  }
0x27: {  	[sflag:s25] =	ssyncadd.s32 $0xFFFFF000  }
0x28: {  	_ =	swait.ge [sflag:s25], $0x1000  }
0x29: {  	[sflag:s25] =	ssyncset.done $0x0  }
0x2a: {  	[sflag:s25] =	ssyncadd.s32 $0xFFFFF000  }
0x2b: {  	_ =	swait.ge [sflag:s25], $0x1000  }
0x2c: {  	[sflag:s25] =	ssyncset.done $0x0  }
0x2d: {  	[sflag:s25] =	ssyncadd.s32 $0xFFFFF000  }
0x2e: {  	_ =	swait.ge [sflag:s25], $0x1000  }
0x2f: {  	[sflag:s25] =	ssyncset.done $0x0  }
0x30: {  	[sflag:s25] =	ssyncadd.s32 $0xFFFFF000  }
0x31: {  	_ =	swait.ge [sflag:s25], $0x1000  }
0x32: {  	[sflag:s25] =	ssyncset.done $0x0  }
0x33: {  	[sflag:s25] =	ssyncadd.s32 $0xFFFFF000  }
0x34: {  	_ =	swait.ge [sflag:s25], $0x2000  }
0x35: {  	[sflag:s25] =	ssyncset.done $0x0  }
0x36: {  	[sflag:s25] =	ssyncadd.s32 $0xFFFFE000  }
0x37: {  	_ =	swait.ge [sflag:s25], $0x2000  }
0x38: {  	[sflag:s25] =	ssyncset.done $0x0  }
0x39: {  	[sflag:s25] =	ssyncadd.s32 $0xFFFFE000  }
0x3a: {  	_ =	swait.ge [sflag:s25], $0x2000  }
0x3b: {  	[sflag:s25] =	ssyncset.done $0x0  }
0x3c: {  	s24 =	simm.s32 $0x6020;
	[sflag:s25] =	ssyncadd.s32 $0xFFFFE000  }
0x3d: {  	v0 =	vld [tilespmem:s24+$0x10]  }
0x3e: {  	v15 =	vld [tilespmem:s24+$0xFFFFFFF0]  }
0x3f: {  	v12 =	vld [tilespmem:s24+$0x0]  }
0x40: {  	s1 =	simm.s32 $0x8020;
	v16 =	vld [tilespmem:s24+$0xFFFFFFE0]  }
0x41: {  	s22 =	simm.s32 $0xA020;
	v13 =	vld [tilespmem:s1+$0x10]  }
0x42: {  	v14 =	vld [tilespmem:s22+$0x10]  }
0x43: {  	v9 =	vld [tilespmem:s1+$0xFFFFFFE0]  }
0x44: {  	v17 =	vld [tilespmem:s1+$0x0]  }
0x45: {  	v21 =	vld [tilespmem:s22+$0x0]  }
0x46: {  	v11 =	vld [tilespmem:s22+$0xFFFFFFE0]  }
0x47: {  	v18 =	vld [tilespmem:s1+$0xFFFFFFF0]  }
0x48: {  	v1 =	vld.idx.msk [tilespmem:v0+s19+$0x0], $0xffff  }
0x49: {  	v19 =	vld [tilespmem:s22+$0xFFFFFFF0];
	v2 =	vadd.f32 v14, v13  }
0x4a: {  	s1 =	simm.s32 $0x8060;
	v8 =	vadd.f32 v21, v17;
	v3 =	vld.idx.msk [tilespmem:v0+s2+$0x0], $0xffff  }
0x4b: {  	s24 =	simm.s32 $0x6060;
	v30 =	vld [tilespmem:s1+$0xFFFFFFE0];
	v20 =	vmul.f32 $5.000000000e-01, v2  }
0x4c: {  	v24 =	vmul.f32 $5.000000000e-01, v8;
	v8 =	vld [tilespmem:s24+$0x10]  }
0x4d: {  	v2 =	vld.idx.msk [tilespmem:v16+s19+$0x0], $0xffff;
	v1 =	vmul.f32 v20, v1  }
0x4e: {  	v4 =	vld.idx.msk [tilespmem:v15+s19+$0x0], $0xffff  }
0x4f: {  	v5 =	vadd.f32 v11, v9;
	v6 =	vld.idx.msk [tilespmem:v12+s19+$0x0], $0xffff;
	v1 =	vadd.f32 v1, v3  }
0x50: {  	v7 =	vld.idx.msk [tilespmem:v16+s2+$0x0], $0xffff;
	v3 =	vadd.f32 v19, v18  }
0x51: {  	v22 =	vmul.f32 $5.000000000e-01, v5;
	v5 =	vld.idx.msk [tilespmem:v15+s2+$0x0], $0xffff;
	v1 =	vmax.f32 v1, $-1.000000000e+00  }
0x52: {  	s23 =	simm.s32 $0xC020;
	s22 =	simm.s32 $0xA060;
	v23 =	vmul.f32 $5.000000000e-01, v3;
	v3 =	vld.idx.msk [tilespmem:v12+s2+$0x0], $0xffff;
	v1 =	vmin.f32 v1, $1.000000000e+00  }
0x53: {  	v31 =	vld [tilespmem:s22+$0xFFFFFFE0];
	v2 =	vmul.f32 v22, v2;
	[tilespmem:s23+$0x10] =	vst v1  }
0x54: {  	v1 =	vmul.f32 v23, v4;
	v4 =	vld.idx.msk [tilespmem:v0+s20+$0x0], $0xffff  }
0x55: {  	v33 =	vld [tilespmem:s1+$0xFFFFFFF0];
	v6 =	vmul.f32 v24, v6;
	v2 =	vadd.f32 v2, v7  }
0x56: {  	v7 =	vld.idx.msk [tilespmem:v0+s17+$0x0], $0xffff;
	v1 =	vadd.f32 v1, v5  }
0x57: {  	v35 =	vld [tilespmem:s22+$0xFFFFFFF0];
	v2 =	vmax.f32 v2, $-1.000000000e+00;
	v3 =	vadd.f32 v6, v3  }
0x58: {  	v36 =	vld [tilespmem:s1+$0x0];
	v2 =	vmin.f32 v2, $1.000000000e+00;
	v1 =	vmax.f32 v1, $-1.000000000e+00  }
0x59: {  	v37 =	vld [tilespmem:s22+$0x0];
	[tilespmem:s23+$0xFFFFFFE0] =	vst v2;
	v1 =	vmin.f32 v1, $1.000000000e+00;
	v2 =	vmax.f32 v3, $-1.000000000e+00;
	v3 =	vmul.f32 v4, v20  }
0x5a: {  	v32 =	vld.idx.msk [tilespmem:v8+s19+$0x0], $0xffff;
	[tilespmem:s23+$0xFFFFFFF0] =	vst v1;
	v1 =	vmin.f32 v2, $1.000000000e+00  }
0x5b: {  	v25 =	vld.idx.msk [tilespmem:v16+s17+$0x0], $0xffff;
	[tilespmem:s23+$0x0] =	vst v1;
	v1 =	vadd.f32 v3, v7  }
0x5c: {  	v5 =	vld.idx.msk [tilespmem:v16+s20+$0x0], $0xffff  }
0x5d: {  	v4 =	vld [tilespmem:s24+$0xFFFFFFE0];
	v1 =	vmax.f32 v1, $-1.000000000e+00  }
0x5e: {  	s0 =	simm.s32 $0xE020;
	v2 =	vld [tilespmem:s22+$0x10];
	v1 =	vmin.f32 v1, $1.000000000e+00  }
0x5f: {  	v6 =	vld.idx.msk [tilespmem:v15+s20+$0x0], $0xffff;
	[tilespmem:s0+$0x10] =	vst v1  }
0x60: {  	v28 =	vld.idx.msk [tilespmem:v0+s21+$0x0], $0xffff  }
0x61: {  	v29 =	vld.idx.msk [tilespmem:v0+s18+$0x0], $0xffff  }
0x62: {  	v0 =	vld [tilespmem:s1+$0x10]  }
0x63: {  	v26 =	vld.idx.msk [tilespmem:v15+s17+$0x0], $0xffff  }
0x64: {  	v5 =	vmul.f32 v5, v22;
	v3 =	vld [tilespmem:s24+$0xFFFFFFF0]  }
0x65: {  	v7 =	vld.idx.msk [tilespmem:v12+s20+$0x0], $0xffff  }
0x66: {  	v5 =	vadd.f32 v5, v25;
	v1 =	vld [tilespmem:s24+$0x0]  }
0x67: {  	v27 =	vld.idx.msk [tilespmem:v12+s17+$0x0], $0xffff;
	v10 =	vadd.f32 v2, v0  }
0x68: {  	v34 =	vld.idx.msk [tilespmem:v8+s2+$0x0], $0xffff;
	v5 =	vmax.f32 v5, $-1.000000000e+00;
	v6 =	vmul.f32 v6, v23  }
0x69: {  	v5 =	vmin.f32 v5, $1.000000000e+00;
	v25 =	vld.idx.msk [tilespmem:v4+s19+$0x0], $0xffff;
	v10 =	vmul.f32 $5.000000000e-01, v10  }
0x6a: {  	v7 =	vmul.f32 v7, v24;
	[tilespmem:s0+$0xFFFFFFE0] =	vst v5;
	v6 =	vadd.f32 v6, v26;
	v57 =	vld.idx.msk [tilespmem:v4+s2+$0x0], $0xffff  }
0x6b: {  	v58 =	vld.idx.msk [tilespmem:v16+s21+$0x0], $0xffff;
	v32 =	vmul.f32 v10, v32  }
0x6c: {  	v27 =	vadd.f32 v7, v27;
	v38 =	vld.idx.msk [tilespmem:v3+s19+$0x0], $0xffff;
	v6 =	vmax.f32 v6, $-1.000000000e+00  }
0x6d: {  	v7 =	vadd.f32 v31, v30;
	v40 =	vld.idx.msk [tilespmem:v3+s2+$0x0], $0xffff;
	v42 =	vmin.f32 v6, $1.000000000e+00;
	v32 =	vadd.f32 v32, v34  }
0x6e: {  	v39 =	vadd.f32 v35, v33;
	v5 =	vadd.f32 v37, v36;
	v27 =	vmax.f32 v27, $-1.000000000e+00;
	[tilespmem:s0+$0xFFFFFFF0] =	vst v42;
	v26 =	vld.idx.msk [tilespmem:v1+s19+$0x0], $0xffff  }
0x6f: {  	v7 =	vmul.f32 $5.000000000e-01, v7;
	v27 =	vmin.f32 v27, $1.000000000e+00;
	v42 =	vld.idx.msk [tilespmem:v15+s21+$0x0], $0xffff;
	v32 =	vmax.f32 v32, $-1.000000000e+00  }
0x70: {  	s23 =	simm.s32 $0xC060;
	v6 =	vmul.f32 $5.000000000e-01, v39;
	[tilespmem:s0+$0x0] =	vst v27;
	v41 =	vld.idx.msk [tilespmem:v1+s2+$0x0], $0xffff;
	v32 =	vmin.f32 v32, $1.000000000e+00  }
0x71: {  	v5 =	vmul.f32 $5.000000000e-01, v5;
	v25 =	vmul.f32 v7, v25;
	v61 =	vld.idx.msk [tilespmem:v12+s21+$0x0], $0xffff;
	[tilespmem:s23+$0x10] =	vst v32  }
0x72: {  	v38 =	vmul.f32 v6, v38;
	v59 =	vld.idx.msk [tilespmem:v8+s20+$0x0], $0xffff  }
0x73: {  	v11 =	vsub.f32 v11, v9;
	v62 =	vld.idx.msk [tilespmem:v12+s18+$0x0], $0xffff;
	v25 =	vadd.f32 v25, v57;
	v26 =	vmul.f32 v5, v26  }
0x74: {  	v9 =	vsub.f32 v19, v18;
	v20 =	vmul.f32 v28, v20;
	v60 =	vadd.f32 v38, v40;
	v27 =	vld.idx.msk [tilespmem:v8+s17+$0x0], $0xffff  }
0x75: {  	v12 =	vsub.f32 v21, v17;
	v19 =	vmax.f32 v25, $-1.000000000e+00;
	v25 =	vld.idx.msk [tilespmem:v16+s18+$0x0], $0xffff;
	v18 =	vadd.f32 v26, v41  }
0x76: {  	v16 =	vadd.f32 v20, v29;
	v19 =	vmin.f32 v19, $1.000000000e+00;
	v20 =	vmax.f32 v60, $-1.000000000e+00;
	v26 =	vld.idx.msk [tilespmem:v15+s18+$0x0], $0xffff  }
0x77: {  	[tilespmem:s23+$0xFFFFFFE0] =	vst v19;
	v15 =	vmin.f32 v20, $1.000000000e+00;
	v18 =	vmax.f32 v18, $-1.000000000e+00;
	v19 =	vmul.f32 v59, v10  }
0x78: {  	v17 =	vsub.f32 v14, v13;
	v14 =	vmul.f32 v58, v22;
	v63 =	vld.idx.msk [tilespmem:v4+s20+$0x0], $0xffff;
	[tilespmem:s23+$0xFFFFFFF0] =	vst v15;
	v13 =	vmin.f32 v18, $1.000000000e+00  }
0x79: {  	v21 =	vmul.f32 v42, v23;
	v15 =	vmax.f32 v16, $-1.000000000e+00;
	v16 =	vld.idx.msk [tilespmem:v3+s20+$0x0], $0xffff;
	[tilespmem:s23+$0x0] =	vst v13;
	v20 =	vadd.f32 v19, v27  }
0x7a: {  	v22 =	vmul.f32 v61, v24;
	v24 =	vadd.f32 v14, v25;
	v18 =	vld.idx.msk [tilespmem:v1+s20+$0x0], $0xffff  }
0x7b: {  	s24 =	simm.s32 $0x10020;
	v15 =	vmin.f32 v15, $1.000000000e+00;
	v26 =	vadd.f32 v21, v26;
	v21 =	vld.idx.msk [tilespmem:v1+s17+$0x0], $0xffff;
	v23 =	vmax.f32 v20, $-1.000000000e+00  }
0x7c: {  	s30 =	simm.s32 $0xE060;
	v22 =	vadd.f32 v22, v62;
	v14 =	vsub.f32 v37, v36;
	[tilespmem:s24+$0x10] =	vst v15;
	v19 =	vld.idx.msk [tilespmem:v4+s17+$0x0], $0xffff;
	v23 =	vmin.f32 v23, $1.000000000e+00  }
0x7d: {  	s29 =	simm.s32 $0x12020;
	v15 =	vsub.f32 v35, v33;
	v13 =	vsub.f32 v31, v30;
	v20 =	vld.idx.msk [tilespmem:v3+s17+$0x0], $0xffff;
	[tilespmem:s30+$0x10] =	vst v23;
	v23 =	vmax.f32 v24, $-1.000000000e+00  }
0x7e: {  	s31 =	simm.s32 $0x4;
	s0 =	simm.s32 $0x60A0;
	[tilespmem:s29+$0x10] =	vst v17;
	v24 =	vmul.f32 v63, v7;
	v17 =	vld.idx.msk [tilespmem:v8+s21+$0x0], $0xffff;
	v25 =	vmin.f32 v23, $1.000000000e+00;
	v23 =	vmax.f32 v26, $-1.000000000e+00  }
.LBB2_2:
0x7f: {  	v26 =	vld [tilespmem:s0+$0x10];
	v27 =	vmul.f32 v16, v6;
	[tilespmem:s24+$0xFFFFFFE0] =	vst v25;
	v23 =	vmin.f32 v23, $1.000000000e+00;
	v16 =	vmax.f32 v22, $-1.000000000e+00  }
0x80: {  	v18 =	vmul.f32 v18, v5;
	v22 =	vld.idx.msk [tilespmem:v8+s18+$0x0], $0xffff;
	[tilespmem:s29+$0xFFFFFFE0] =	vst v11;
	v8 =	vmin.f32 v16, $1.000000000e+00;
	v11 =	vmov v13  }
0x81: {  	s31 =	sadd.s32 $0x4, s31;
	v13 =	vadd.f32 v24, v19;
	v16 =	vld [tilespmem:s0+$0xFFFFFFF0];
	[tilespmem:s24+$0xFFFFFFF0] =	vst v23  }
0x82: {  	p0 =	slt.u32 s31, $0x1FC;
	v20 =	vadd.f32 v27, v20;
	v19 =	vld [tilespmem:s0+$0x0];
	[tilespmem:s29+$0xFFFFFFF0] =	vst v9;
	v9 =	vmov v15  }
0x83: {  	s1 =	sadd.s32 $0x40, s1;
	v13 =	vmax.f32 v13, $-1.000000000e+00;
	v15 =	vadd.f32 v18, v21;
	v23 =	vld [tilespmem:s0+$0xFFFFFFE0];
	[tilespmem:s24+$0x0] =	vst v8  }
0x84: {  	s22 =	sadd.s32 $0x40, s22;
	v13 =	vmin.f32 v13, $1.000000000e+00;
	v20 =	vmax.f32 v20, $-1.000000000e+00;
	v10 =	vmul.f32 v17, v10;
	v18 =	vld [tilespmem:s1+$0x10];
	[tilespmem:s29+$0x0] =	vst v12;
	v8 =	vmovc v26;
	v12 =	vmovc v14  }
0x85: {  	v15 =	vmax.f32 v15, $-1.000000000e+00;
	v14 =	vld [tilespmem:s22+$0x10];
	[tilespmem:s30+$0xFFFFFFE0] =	vst v13;
	v13 =	vmin.f32 v20, $1.000000000e+00  }
0x86: {  	v10 =	vadd.f32 v10, v22;
	v17 =	vld [tilespmem:s1+$0xFFFFFFE0];
	[tilespmem:s30+$0xFFFFFFF0] =	vst v13;
	v13 =	vmin.f32 v15, $1.000000000e+00  }
0x87: {  	v15 =	vld [tilespmem:s22+$0xFFFFFFE0];
	[tilespmem:s30+$0x0] =	vst v13  }
0x88: {  	v10 =	vmax.f32 v10, $-1.000000000e+00;
	v20 =	vld.idx.msk [tilespmem:v26+s19+$0x0], $0xffff  }
0x89: {  	s24 =	sadd.s32 $0x40, s24;
	v13 =	vsub.f32 v2, v0;
	v10 =	vmin.f32 v10, $1.000000000e+00;
	v21 =	vld [tilespmem:s1+$0xFFFFFFF0];
	v0 =	vmov v18  }
0x8a: {  	s29 =	sadd.s32 $0x40, s29;
	v18 =	vadd.f32 v14, v0;
	v22 =	vld.idx.msk [tilespmem:v26+s2+$0x0], $0xffff;
	[tilespmem:s24+$0x10] =	vst v10;
	v2 =	vmov v14  }
0x8b: {  	v14 =	vld [tilespmem:s22+$0xFFFFFFF0];
	[tilespmem:s29+$0x10] =	vst v13  }
0x8c: {  	v24 =	vadd.f32 v15, v17;
	v13 =	vsub.f32 v15, v17;
	v17 =	vld [tilespmem:s1+$0x0];
	v10 =	vmul.f32 $5.000000000e-01, v18  }
0x8d: {  	v18 =	vld [tilespmem:s22+$0x0]  }
0x8e: {  	v24 =	vmul.f32 $5.000000000e-01, v24;
	v25 =	vld.idx.msk [tilespmem:v23+s19+$0x0], $0xffff;
	v15 =	vmul.f32 v10, v20  }
0x8f: {  	v20 =	vld.idx.msk [tilespmem:v16+s19+$0x0], $0xffff  }
0x90: {  	v26 =	vadd.f32 v14, v21;
	v27 =	vld.idx.msk [tilespmem:v19+s19+$0x0], $0xffff;
	v22 =	vadd.f32 v15, v22  }
0x91: {  	v15 =	vsub.f32 v14, v21;
	v28 =	vld.idx.msk [tilespmem:v23+s2+$0x0], $0xffff  }
0x92: {  	v21 =	vmul.f32 $5.000000000e-01, v26;
	v26 =	vld.idx.msk [tilespmem:v16+s2+$0x0], $0xffff;
	v29 =	vadd.f32 v18, v17;
	v22 =	vmax.f32 v22, $-1.000000000e+00  }
0x93: {  	s23 =	sadd.s32 $0x40, s23;
	v14 =	vsub.f32 v18, v17;
	v30 =	vld.idx.msk [tilespmem:v19+s2+$0x0], $0xffff;
	v17 =	vmin.f32 v22, $1.000000000e+00  }
0x94: {  	v18 =	vmul.f32 v24, v25;
	v22 =	vmul.f32 $5.000000000e-01, v29;
	[tilespmem:s23+$0x10] =	vst v17;
	v17 =	vld.idx.msk [tilespmem:v4+s21+$0x0], $0xffff  }
0x95: {  	v20 =	vmul.f32 v21, v20;
	v25 =	vld.idx.msk [tilespmem:v8+s20+$0x0], $0xffff  }
0x96: {  	v27 =	vmul.f32 v22, v27;
	v29 =	vld.idx.msk [tilespmem:v3+s21+$0x0], $0xffff  }
0x97: {  	v18 =	vadd.f32 v18, v28;
	v28 =	vld.idx.msk [tilespmem:v8+s17+$0x0], $0xffff  }
0x98: {  	v20 =	vadd.f32 v20, v26;
	v26 =	vld.idx.msk [tilespmem:v1+s21+$0x0], $0xffff  }
0x99: {  	v18 =	vmax.f32 v18, $-1.000000000e+00;
	v27 =	vadd.f32 v27, v30;
	v30 =	vld.idx.msk [tilespmem:v4+s18+$0x0], $0xffff;
	v4 =	vmov v23  }
0x9a: {  	v18 =	vmin.f32 v18, $1.000000000e+00;
	v20 =	vmax.f32 v20, $-1.000000000e+00;
	v17 =	vmul.f32 v17, v7;
	v7 =	vmovc v24;
	v31 =	vld.idx.msk [tilespmem:v3+s18+$0x0], $0xffff;
	v3 =	vmovc v16  }
0x9b: {  	v24 =	vmul.f32 v25, v10;
	[tilespmem:s23+$0xFFFFFFE0] =	vst v18;
	v18 =	vmin.f32 v20, $1.000000000e+00;
	v20 =	vmax.f32 v27, $-1.000000000e+00;
	v25 =	vld.idx.msk [tilespmem:v1+s18+$0x0], $0xffff;
	v1 =	vmovc v19  }
0x9c: {  	v27 =	vmul.f32 v29, v6;
	v6 =	vmov v21;
	v23 =	vld.idx.msk [tilespmem:v23+s20+$0x0], $0xffff;
	[tilespmem:s23+$0xFFFFFFF0] =	vst v18;
	v18 =	vmin.f32 v20, $1.000000000e+00  }
0x9d: {  	v20 =	vadd.f32 v24, v28;
	v16 =	vld.idx.msk [tilespmem:v16+s20+$0x0], $0xffff;
	[tilespmem:s23+$0x0] =	vst v18  }
.Ltmp0:
0x9e: {  	v24 =	vmul.f32 v26, v5;
	v5 =	vmov v22;
	v18 =	vld.idx.msk [tilespmem:v19+s20+$0x0], $0xffff;
	(pc) =	sbr.rel @p0 .LBB2_2-.Ltmp0, $4  }
0x9f: {  	v21 =	vmax.f32 v20, $-1.000000000e+00;
	v17 =	vadd.f32 v17, v30;
	v19 =	vld.idx.msk [tilespmem:v4+s17+$0x0], $0xffff  }
0xa0: {  	s30 =	sadd.s32 $0x40, s30;
	v22 =	vmin.f32 v21, $1.000000000e+00;
	v26 =	vadd.f32 v27, v31;
	v20 =	vld.idx.msk [tilespmem:v3+s17+$0x0], $0xffff  }
0xa1: {  	v27 =	vmax.f32 v17, $-1.000000000e+00;
	v21 =	vld.idx.msk [tilespmem:v1+s17+$0x0], $0xffff;
	[tilespmem:s30+$0x10] =	vst v22;
	v22 =	vadd.f32 v24, v25  }
0xa2: {  	s0 =	sadd.s32 $0x40, s0;
	v24 =	vmul.f32 v23, v7;
	v25 =	vmin.f32 v27, $1.000000000e+00;
	v23 =	vmax.f32 v26, $-1.000000000e+00;
	v17 =	vld.idx.msk [tilespmem:v8+s21+$0x0], $0xffff  }
0xa3: {  	_ = 	snop  }
0xa4: {  	v16 =	vmul.f32 v16, v6;
	v19 =	vadd.f32 v24, v19;
	_ =	sdelay $0x1  }
0xa5: {  	v18 =	vmul.f32 v18, v5;
	v16 =	vadd.f32 v16, v20;
	v19 =	vmax.f32 v19, $-1.000000000e+00  }
0xa6: {  	v19 =	vmin.f32 v19, $1.000000000e+00  }
0xa7: {  	v8 =	vld.idx.msk [tilespmem:v8+s18+$0x0], $0xffff;
	v18 =	vadd.f32 v18, v21;
	v16 =	vmax.f32 v16, $-1.000000000e+00;
	[tilespmem:s30+$0xFFFFFFE0] =	vst v19  }
0xa8: {  	v16 =	vmin.f32 v16, $1.000000000e+00;
	v48 =	vld.idx.msk [tilespmem:v4+s21+$0x0], $0xffff  }
0xa9: {  	v18 =	vmax.f32 v18, $-1.000000000e+00;
	[tilespmem:s30+$0xFFFFFFF0] =	vst v16;
	v50 =	vld.idx.msk [tilespmem:v4+s18+$0x0], $0xffff  }
0xaa: {  	[tilespmem:s24+$0xFFFFFFE0] =	vst v25;
	v18 =	vmin.f32 v18, $1.000000000e+00;
	v49 =	vld.idx.msk [tilespmem:v3+s21+$0x0], $0xffff  }
0xab: {  	v10 =	vmul.f32 v17, v10;
	[tilespmem:s30+$0x0] =	vst v18;
	v53 =	vld.idx.msk [tilespmem:v3+s18+$0x0], $0xffff  }
0xac: {  	v52 =	vmin.f32 v23, $1.000000000e+00;
	[tilespmem:s29+$0xFFFFFFE0] =	vst v11;
	v51 =	vld.idx.msk [tilespmem:v1+s21+$0x0], $0xffff  }
0xad: {  	v54 =	vmax.f32 v22, $-1.000000000e+00;
	[tilespmem:s24+$0xFFFFFFF0] =	vst v52;
	v8 =	vadd.f32 v10, v8;
	v7 =	vmul.f32 v48, v7  }
0xae: {  	v55 =	vmin.f32 v54, $1.000000000e+00;
	[tilespmem:s29+$0xFFFFFFF0] =	vst v9;
	v56 =	vld.idx.msk [tilespmem:v1+s18+$0x0], $0xffff  }
0xaf: {  	[tilespmem:s24+$0x0] =	vst v55;
	v8 =	vmax.f32 v8, $-1.000000000e+00;
	v57 =	vmul.f32 v49, v6;
	v4 =	vadd.f32 v7, v50  }
0xb0: {  	v0 =	vsub.f32 v2, v0;
	s0 =	sadd.s32 $0x40, s24;
	[tilespmem:s29+$0x0] =	vst v12;
	v58 =	vmin.f32 v8, $1.000000000e+00  }
0xb1: {  	s1 =	sadd.s32 $0x40, s29;
	[tilespmem:s0+$0x10] =	vst v58;
	v59 =	vmul.f32 v51, v5;
	v3 =	vadd.f32 v57, v53;
	v4 =	vmax.f32 v4, $-1.000000000e+00  }
0xb2: {  	[tilespmem:s1+$0x10] =	vst v0;
	v60 =	vmin.f32 v4, $1.000000000e+00  }
0xb3: {  	v1 =	vadd.f32 v59, v56;
	v61 =	vmax.f32 v3, $-1.000000000e+00;
	[tilespmem:s0+$0xFFFFFFE0] =	vst v60  }
0xb4: {  	v62 =	vmin.f32 v61, $1.000000000e+00;
	[tilespmem:s1+$0xFFFFFFE0] =	vst v13  }
0xb5: {  	v1 =	vmax.f32 v1, $-1.000000000e+00;
	[tilespmem:s0+$0xFFFFFFF0] =	vst v62  }
0xb6: {  	v63 =	vmin.f32 v1, $1.000000000e+00;
	[tilespmem:s1+$0xFFFFFFF0] =	vst v15  }
0xb7: {  	[tilespmem:s0+$0x0] =	vst v63  }
0xb8: {  	s24 =	simm.s32 $0xC000;
	[tilespmem:s1+$0x0] =	vst v14  }
0xb9: {  	[hbm4b:s12+s26] =	stream.strided.scatter [tilespmem:s24], [sflag:$0x1], $0x2000, s28, s26, $0x38;
	[tilespmem:$0x14000] =	vst v63  }
0xba: {  	s29 =	simm.s32 $0xE000  }
0xbb: {  	[hbm4b:s13+s26] =	stream.strided.scatter [tilespmem:s29], [sflag:$0x1], $0x2000, s28, s26, $0x38;
	[tilespmem:$0x14000] =	vst v63  }
0xbc: {  	s30 =	simm.s32 $0x10000  }
0xbd: {  	[hbm4b:s14+s26] =	stream.strided.scatter [tilespmem:s30], [sflag:$0x1], $0x2000, s28, s26, $0x38;
	[tilespmem:$0x14000] =	vst v63  }
0xbe: {  	s31 =	simm.s32 $0x12000  }
0xbf: {  	[hbm4b:s15+s26] =	stream.strided.scatter [tilespmem:s31], [sflag:$0x1], $0x2000, s28, s26, $0x38;
	[tilespmem:$0x14000] =	vst v63  }
0xc0: {  	_ =	swait.ge [sflag:s25], $0x2000  }
0xc1: {  	[sflag:s25] =	ssyncset.done $0x0  }
0xc2: {  	[sflag:s25] =	ssyncadd.s32 $0xFFFFE000  }
0xc3: {  	_ =	swait.ge [sflag:s25], $0x2000  }
0xc4: {  	[sflag:s25] =	ssyncset.done $0x0  }
0xc5: {  	s4 =	sadd.s32 $0x1, s4;
	[sflag:s25] =	ssyncadd.s32 $0xFFFFE000  }
0xc6: {  	p0 =	sne.s32 s4, s16;
	_ =	swait.ge [sflag:s25], $0x2000  }
.Ltmp1:
0xc7: {  	[sflag:s25] =	ssyncset.done $0x0;
	(pc) =	sbr.rel @p0 .LBB2_1-.Ltmp1, $4  }
0xc8: {  	[sflag:s25] =	ssyncadd.s32 $0xFFFFE000  }
0xc9: {  	_ =	swait.ge [sflag:s25], $0x2000  }
0xca: {  	[sflag:s25] =	ssyncset.done $0x0  }
0xcb: {  	[sflag:s25] =	ssyncadd.s32 $0xFFFFE000  }
0xcc: {  	_ =	sfence.sel $0x180000  }
0xcd: {  	[bflag:$0x0] =	sbarrier.arrive $0xFFFF  }
0xce: {  	_ =	strace $0x90000047  }
0xcf: {  	s0 =	stileid.u32;
	[bflag:$0x2] =	sbarrier.arrive $0xFFFF  }
0xd0: {  	p0 =	sne.s32 s0, $0x0;
	s0 =	rddreg [dreg:$0x5]  }
0xd1: {  	s0 =	sadd.s32 @!p0 $0x100000, s0  }
0xd2: {  	[sflag:s0] =	ssyncadd.tile.s32 @!p0 $0x1;
	_ =	shalt  }
.Lfunc_end2:
_tile_overlayer_lowered:
.L_overlay_start_2:
0xd3: {  	(tag) =	ssettag $0x2  }
0xd4: {  	s0 =	rddreg [dreg:$0x0];
	s2 =	stileid.u32  }
0xd5: {  	s1 =	rddreg [dreg:$0x1];
	p0 =	sne.s32 s2, $0x0  }
0xd6: {  	s3 =	rddreg [dreg:$0x2];
	[bflag:$0x3] =	sbarrier.arrive $0xFFFF;
	s2 =	simm.s32 @!p0 $0x1C02  }
0xd7: {  	[timem:s3], [sflag:s2] =	dma.local @!p0 [hbm:s0], s1  }
0xd8: {  	s0 =	simm.s32 @!p0 $0x2  }
0xd9: {  	_ =	swait.ge @!p0 [sflag:s0], s1  }
0xda: {  	s1 =	ssub.s32 @!p0 $0x0, s1;
	[sflag:s0] =	ssyncset.done @!p0 $0x0  }
0xdb: {  	[sflag:s0] =	ssyncadd.s32 @!p0 s1  }
0xdc: {  	[bflag:$0x3] =	sbarrier.arrive $0xFFFF  }
0xdd: {  	_ =	shalt  }

// kernel: kernel.9.cloned.1.call-start
scs
__scs_entry_jumppad:
0x0: {  	(pc) =	sbr.rel $0x88, $3  }
0x1: {  	(tag) =	ssettag $0x0;
	lr =	simm.s32 $0x1  }
0x2: {  	[smem:$0x3F96] =	sst lr;
	_ =	strace $0xD0000000  }
0x3: {  	_ = 	snop  }
0x4: {  	_ = 	snop  }
0x5: {  	_ = 	snop  }
0x6: {  	_ = 	snop  }
0x7: {  	_ = 	snop  }
__scs_overlays_trampoline_lowered:
0x8: {  	[smem:$0x3FA5] =	sst s0  }
0x9: {  	[smem:$0x3FA6] =	sst s1  }
0xa: {  	[smem:$0x3FA7] =	sst s2  }
0xb: {  	[smem:$0x3FA8] =	sst s3  }
0xc: {  	[smem:$0x3FA9] =	sst s4  }
0xd: {  	[smem:$0x3FAA] =	sst s5  }
0xe: {  	[smem:$0x3FAB] =	sst s6  }
0xf: {  	[smem:$0x3FAC] =	sst s7  }
0x10: {  	[smem:$0x3FAD] =	sst s8  }
0x11: {  	[smem:$0x3FAE] =	sst s9;
	s0 =	simm.s32 @!p0 $0x0  }
0x12: {  	s1 =	sld [smem:$0x3F94];
	s0 =	simm.s32 @p0 $0x1  }
0x13: {  	[smem:$0x3FAF] =	sst s0;
	s0 =	simm.s32 @!p1 $0x0  }
0x14: {  	s2 =	sld [smem:$0x3F93];
	s0 =	simm.s32 @p1 $0x1  }
0x15: {  	[smem:$0x3FB0] =	sst s0;
	s0 =	simm.s32 @!p2 $0x0  }
0x16: {  	s3 =	sld [smem:$0x3FDB];
	s0 =	simm.s32 @p2 $0x1  }
0x17: {  	s4 =	simm.s32 $0x1BF5;
	[smem:$0x3FB2] =	sst s0  }
0x18: {  	s0 =	sld [smem:$0x3F95];
	_ =	swait.ge [sflag:s4], $0x0  }
0x19: {  	s7 =	sld [smem:$0x3F96]  }
0x1a: {  	s8 =	sadd.s32 $0xFFFFE003, lr  }
0x1b: {  	s9 =	sadd.s32 $0xFFFFFEF7, lr;
	s5 =	simm.s32 $0xFFFFFFFF;
	p2 =	slt.u32 s8, $0xFFFFF086  }
0x1c: {  	p1 =	slt.u32 s9, $0xF7A;
	s5 =	simm.s32 @!p2 $0x0  }
0x1d: {  	s5 =	simm.s32 @p1 $0x1;
	p0 =	seq.s32 s7, s2  }
0x1e: {  	s7 =	smul.u32 @!p0 $0xF7A, s2;
	p2 =	seq.s32 @!p0 s5, $0x0  }
0x1f: {  	s9 =	smul.u32 $0xF7A, s1;
	s8 =	simm.s32 @!p0 $0x1BF5;
	p2 =	por !p2, p0  }
0x20: {  	[sflag:s8] =	ssyncset.s32 @!p0 $0xFFFFF086;
	s6 =	sadd.s32 @!p0 s3, s7;
	s7 =	simm.s32 @!p0 $0x108  }
0x21: {  	s3 =	sadd.s32 s3, s9;
	s6 =	sadd.s32 @!p0 $0x88, s6;
	s7 =	simm.s32 @p2 $0x1082  }
0x22: {  	[simem:s7], [sflag:s8] =	dma.local @!p0 [hbm:s6], $0xF7A  }
0x23: {  	s9 =	sor.u32 $0xD0000000, s2;
	s6 =	simm.s32 $0x108;
	_ =	swait.ge @!p0 [sflag:s8], $0x0  }
0x24: {  	s3 =	sadd.s32 $0x88, s3;
	s6 =	simm.s32 @!p1 $0x1082;
	[sflag:s4] =	ssyncset.s32 $0xFFFFF086  }
0x25: {  	[simem:s6], [sflag:s4] =	dma.local [hbm:s3], $0xF7A  }
0x26: {  	[smem:$0x3F96] =	sst s1;
	(tag) =	ssettag s2;
	_ =	strace s9  }
0x27: {  	s1 =	sld [smem:$0x3FA6]  }
0x28: {  	s2 =	sld [smem:$0x3FA7]  }
0x29: {  	s4 =	sld [smem:$0x3FA9]  }
0x2a: {  	p0 =	seq.s32 s5, $0x0;
	s5 =	sld [smem:$0x3FAA]  }
0x2b: {  	s6 =	sld [smem:$0x3FAB]  }
0x2c: {  	s7 =	sld [smem:$0x3FAC]  }
0x2d: {  	s3 =	simm.s32 $0x108;
	s8 =	sld [smem:$0x3FAD]  }
0x2e: {  	s3 =	simm.s32 @!p0 $0x1082;
	s9 =	sld [smem:$0x3FAE]  }
0x2f: {  	lr =	sadd.s32 s0, s3;
	s0 =	sld [smem:$0x3FA5]  }
0x30: {  	s3 =	sld [smem:$0x3FA8]  }
0x31: {  	[smem:$0x3FB1] =	sst s10  }
0x32: {  	s10 =	sld [smem:$0x3FAF];
	_ =	sdelay $0x3  }
0x33: {  	p0 =	seq.s32 s10, $0x1;
	s10 =	sld [smem:$0x3FB1];
	_ =	sdelay $0x3  }
0x34: {  	[smem:$0x3FB1] =	sst s10  }
0x35: {  	s10 =	sld [smem:$0x3FB0];
	_ =	sdelay $0x3  }
0x36: {  	p1 =	seq.s32 s10, $0x1;
	s10 =	sld [smem:$0x3FB1];
	_ =	sdelay $0x3  }
0x37: {  	[smem:$0x3FB1] =	sst s10  }
0x38: {  	s10 =	sld [smem:$0x3FB2]  }
0x39: {  	_ = 	snop;
	(pc) =	sbr.ind lr, $3  }
0x3a: {  	_ = 	snop  }
0x3b: {  	_ = 	snop  }
0x3c: {  	p2 =	seq.s32 s10, $0x1;
	s10 =	sld [smem:$0x3FB1]  }
0x3d: {  	_ =	shalt  }
0x3e: {  	_ =	shalt  }
0x3f: {  	_ =	shalt  }
0x40: {  	_ =	shalt  }
0x41: {  	_ =	shalt  }
0x42: {  	_ =	shalt  }
0x43: {  	_ =	shalt  }
0x44: {  	_ =	shalt  }
0x45: {  	_ =	shalt  }
0x46: {  	_ =	shalt  }
0x47: {  	_ =	shalt  }
0x48: {  	_ =	shalt  }
0x49: {  	_ =	shalt  }
0x4a: {  	_ =	shalt  }
0x4b: {  	_ =	shalt  }
0x4c: {  	_ =	shalt  }
0x4d: {  	_ =	shalt  }
0x4e: {  	_ =	shalt  }
0x4f: {  	_ =	shalt  }
0x50: {  	_ =	shalt  }
0x51: {  	_ =	shalt  }
0x52: {  	_ =	shalt  }
0x53: {  	_ =	shalt  }
0x54: {  	_ =	shalt  }
0x55: {  	_ =	shalt  }
0x56: {  	_ =	shalt  }
0x57: {  	_ =	shalt  }
0x58: {  	_ =	shalt  }
0x59: {  	_ =	shalt  }
0x5a: {  	_ =	shalt  }
0x5b: {  	_ =	shalt  }
0x5c: {  	_ =	shalt  }
0x5d: {  	_ =	shalt  }
0x5e: {  	_ =	shalt  }
0x5f: {  	_ =	shalt  }
0x60: {  	_ =	shalt  }
0x61: {  	_ =	shalt  }
0x62: {  	_ =	shalt  }
0x63: {  	_ =	shalt  }
0x64: {  	_ =	shalt  }
0x65: {  	_ =	shalt  }
0x66: {  	_ =	shalt  }
0x67: {  	_ =	shalt  }
0x68: {  	_ =	shalt  }
0x69: {  	_ =	shalt  }
0x6a: {  	_ =	shalt  }
0x6b: {  	_ =	shalt  }
0x6c: {  	_ =	shalt  }
0x6d: {  	_ =	shalt  }
0x6e: {  	_ =	shalt  }
0x6f: {  	_ =	shalt  }
0x70: {  	_ =	shalt  }
0x71: {  	_ =	shalt  }
0x72: {  	_ =	shalt  }
0x73: {  	_ =	shalt  }
0x74: {  	_ =	shalt  }
0x75: {  	_ =	shalt  }
0x76: {  	_ =	shalt  }
0x77: {  	_ =	shalt  }
0x78: {  	_ =	shalt  }
0x79: {  	_ =	shalt  }
0x7a: {  	_ =	shalt  }
0x7b: {  	_ =	shalt  }
0x7c: {  	_ =	shalt  }
0x7d: {  	_ =	shalt  }
0x7e: {  	_ =	shalt  }
0x7f: {  	_ =	shalt  }
0x80: {  	_ =	shalt  }
0x81: {  	_ =	shalt  }
0x82: {  	_ =	shalt  }
0x83: {  	_ =	shalt  }
0x84: {  	_ =	shalt  }
0x85: {  	_ =	shalt  }
0x86: {  	_ =	shalt  }
0x87: {  	_ =	shalt  }
.Lfunc_end0:
.L_simem_size_0:
called_computation.1_lowered:
.L_overlay_start_0:
0x88: {  	s2 =	sld [smem:$0x3FD9]  }
0x89: {  	s3 =	sld [smem:$0x3FFE];
	_ =	sdelay $0x1  }
0x8a: {  	s1 =	srdreg.scid  }
0x8b: {  	s0 =	sand.u32 $0x1, s1  }
0x8c: {  	s17 =	sshll.u32 s0, $0xA;
	s2 =	sadd.s32 s3, s2  }
0x8d: {  	s2 =	sadd.s32 s2, s17  }
0x8e: {  	[smem:$0x3FBD] =	sst s2  }
0x8f: {  	_ = 	snop  }
0x90: {  	s2 =	sld [smem:$0x3FC5];
	(tm) =	ssettm $0x1  }
0x91: {  	s18 =	sld [smem:$0x3FFB];
	_ =	sdelay $0x3  }
0x92: {  	_ =	strace s18  }
0x93: {  	s3 =	sld [smem:$0x3FFC];
	_ =	sdelay $0x3  }
0x94: {  	_ =	strace s3  }
0x95: {  	s3 =	sld [smem:$0x3FFD];
	_ =	sdelay $0x3  }
0x96: {  	_ =	strace s3  }
0x97: {  	_ =	strace $0x8FFFFFFF  }
0x98: {  	s19 =	sld [smem:$0x3FDB];
	_ =	sdelay $0x1  }
0x99: {  	s4 =	simm.s32 $_scs_section_size  }
0x9a: {  	s5 =	simm.s32 $_size__tile_overlayer_lowered;
	s6 =	simm.s32 $_tile_overlayer_lowered  }
0x9b: {  	s22 =	simm.s32 $0x1BFF;
	s21 =	sshll.u32 s6, $0x1;
	s3 =	sadd.s32 s4, s19  }
0x9c: {  	s7 =	simm.s32 $0x0;
	s20 =	sshll.u32 s5, $0x1;
	s5 =	sadd.s32 s21, s3  }
0x9d: {  	[timem:s7], [sflag:s22] =	dma.local [hbm:s5], s20  }
0x9e: {  	_ =	swait.ge [sflag:s22], s20  }
0x9f: {  	s4 =	ssub.s32 $0x0, s20;
	[sflag:s22] =	ssyncset.done $0x0  }
0xa0: {  	[sflag:s22] =	ssyncadd.s32 s4;
	_ =	sdelay $0x1  }
0xa1: {  	s23 =	simm.s32 $0x1B8B  }
0xa2: {  	_ =	swait.ge [sflag:s23], $0x1  }
0xa3: {  	[sflag:s23] =	ssyncset.done $0x0  }
0xa4: {  	s25 =	simm.s32 $0x1B8E;
	s24 =	sld [smem:$0x3FFE];
	[sflag:s23] =	ssyncadd.s32 $0xFFFFFFFF  }
0xa5: {  	s26 =	simm.s32 $execute0_lowered;
	[smem:$0x3FD2] =	sst s25  }
0xa6: {  	s5 =	sshll.u32 s26, $0x1;
	_ =	strace $0x80000049;
	[dreg:$0x1] =	wrdreg $0xFFFFFFFF  }
0xa7: {  	s28 =	simm.s32 $_size_execute0_lowered;
	s3 =	sadd.s32 s3, s5;
	[dreg:$0x0] =	wrdreg $0x0  }
0xa8: {  	s5 =	sshll.u32 s28, $0x1;
	[dreg:$0x2] =	wrdreg s3  }
0xa9: {  	[dreg:$0x3] =	wrdreg s5  }
0xaa: {  	[dreg:$0x4] =	wrdreg $0xC0  }
0xab: {  	_ =	task [dreg:s7], $0x5FFFF  }
0xac: {  	[dreg:$0x1] =	wrdreg $0xFFFFFFFF  }
0xad: {  	[dreg:$0x0] =	wrdreg $0x60  }
0xae: {  	[dreg:$0x2] =	wrdreg s24  }
0xaf: {  	[dreg:$0x3] =	wrdreg s2  }
0xb0: {  	[dreg:$0x4] =	wrdreg $0x9  }
0xb1: {  	_ =	task.clear_ibuf [dreg:s7], $0x5FFFF;
	_ =	strace $0x90000049  }
0xb2: {  	s29 =	simm.s32 $0x9;
	_ =	strace $0x8000004B  }
0xb3: {  	_ =	swait.ge [sflag:s29], $0x1  }
0xb4: {  	[sflag:s29] =	ssyncadd.s32 $0xFFFFFFFF  }
0xb5: {  	_ =	strace $0x9000004B  }
0xb6: {  	_ =	sfence  }
0xb7: {  	s30 =	sld [smem:$0x0];
	_ =	sdelay $0x2  }
0xb8: {  	s31 =	sshll.u32 s1, $0xD;
	s1 =	sshrl.u32 s1, $0x2  }
0xb9: {  	s3 =	sand.u32 $0x4000, s31;
	s1 =	sadd.s32 s1, s30  }
0xba: {  	s0 =	sor.u32 s3, s0;
	s1 =	sshll.u32 s1, $0x11  }
0xbb: {  	s0 =	sor.u32 s1, s0  }
0xbc: {  	s0 =	sadd.s32 $0x8F2B, s0  }
0xbd: {  	[sflag:s0] =	ssyncadd.remote.s32 $0x1  }
0xbe: {  	_ =	sfence.sel $0xFFFF  }
0xbf: {  	[dreg:$0x0] =	wrdreg $0xFFFFFFFF;
	(pc) =	sbr.abs _section_cstart, $3  }
0xc0: {  	[dreg:$0x1] =	wrdreg $0xFFFFFFFF  }
0xc1: {  	_ =	task.clear_ibuf [dreg:s7], $0x2FFFF;
	_ =	strace $0x9FFFFFFF  }
0xc2: {  	(tm) =	ssettm $0x7FFFFFFF  }
0xc3: {  	_ =	shalt  }
tec
execute0_lowered:
.L_overlay_start_1:
0x0: {  	(tag) =	ssettag $0x1  }
0x1: {  	s3 =	rddreg [dreg:$0x0]  }
0x2: {  	s4 =	rddreg [dreg:$0x1]  }
0x3: {  	s0 =	rddreg [dreg:$0x2]  }
0x4: {  	s5 =	srdreg.scid;
	s1 =	stileid.u32;
	s2 =	simm.s32 $0x0  }
0x5: {  	s11 =	simm.s32 $0x400;
	s12 =	simm.s32 $0x2;
	s13 =	simm.s32 $0x0  }
0x6: {  	s5 =	sand.u32 $0x1, s5;
	s6 =	sshll.u32 s1, $0x1;
	[smem:$0x7FF] =	sst s2  }
0x7: {  	s9 =	sshll.u32 s1, $0xA;
	s6 =	sor.u32 s5, s6;
	_ =	strace $0x8000004A  }
0x8: {  	s5 =	ssub.s32 $0x2, s5;
	s9 =	sand.u32 $0x3000, s9;
	s7 =	sshll.u32 s6, $0xA  }
0x9: {  	s10 =	sshrl.u32 s5, $0x1;
	s6 =	sshll.u32 s6, $0x4;
	s9 =	sadd.s32 s9, s3  }
0xa: {  	s8 =	sadd.s32 s7, s3;
	s10 =	ssub.s32 s5, s10;
	s31 =	sand.u32 $0x70, s6  }
0xb: {  	s4 =	sadd.s32 s4, s7;
	s7 =	simm.s32 $0x2000;
	s3 =	sadd.s32 $0x1400, s8  }
0xc: {  	s5 =	sadd.s32 s31, s9;
	s6 =	smax.u32 s10, $0x1;
	s8 =	simm.s32 $0x1  }
0xd: {  	v0 =	vimm.f32 $0.0e+00;
	s9 =	simm.s32 $0x4000;
	s10 =	simm.s32 $0x80;
	s5 =	sadd.s32 $0x9400, s5  }
.LBB2_1:
0xe: {  	[tilespmem:s2], [sflag:$0x1] =	stream.linear.gather [hbm4b:s3+s2], $0x2000, $0x38;
	[tilespmem:$0x5000] =	vst v63  }
0xf: {  	s14 =	simm.s32 $0x0;
	s15 =	simm.s32 $0x200  }
0x10: {  	[tilespmem:s7], [sflag:$0x1] =	stream.linear.gather [hbm4b:s4+s2], $0x2000, $0x38;
	[tilespmem:$0x5000] =	vst v63  }
.LBB2_2:
0x11: {  	p0 =	sne.s32 s15, $0x3E00;
	[tilespmem:s14+$0x4070] =	vst v0  }
0x12: {  	[tilespmem:s14+$0x4000] =	vst v0  }
0x13: {  	[tilespmem:s14+$0x4010] =	vst v0  }
.Ltmp0:
0x14: {  	[tilespmem:s14+$0x4020] =	vst v0;
	(pc) =	sbr.rel @p0 .LBB2_2-.Ltmp0, $4  }
0x15: {  	[tilespmem:s14+$0x4030] =	vst v0  }
0x16: {  	[tilespmem:s14+$0x4040] =	vst v0  }
0x17: {  	[tilespmem:s14+$0x4050] =	vst v0  }
0x18: {  	[tilespmem:s14+$0x4060] =	vst v0;
	s14 =	sshra.s32 s15, $0x2;
	s15 =	sadd.s32 $0x200, s15  }
0x19: {  	[tilespmem:s14+$0x4070] =	vst v0  }
0x1a: {  	[tilespmem:s14+$0x4000] =	vst v0  }
0x1b: {  	[tilespmem:s14+$0x4010] =	vst v0  }
0x1c: {  	[tilespmem:s14+$0x4020] =	vst v0  }
0x1d: {  	[tilespmem:s14+$0x4030] =	vst v0  }
0x1e: {  	[tilespmem:s14+$0x4040] =	vst v0  }
0x1f: {  	[tilespmem:s14+$0x4050] =	vst v0  }
0x20: {  	[tilespmem:s14+$0x4060] =	vst v0  }
0x21: {  	_ =	swait.ge [sflag:s8], $0x2000  }
0x22: {  	[sflag:s8] =	ssyncset.done $0x0  }
0x23: {  	[sflag:s8] =	ssyncadd.s32 $0xFFFFE000  }
0x24: {  	_ =	swait.ge [sflag:s8], $0x2000  }
0x25: {  	s14 =	simm.s32 $0xFFFFFFFC;
	[sflag:s8] =	ssyncset.done $0x0  }
0x26: {  	s15 =	simm.s32 $0x20;
	s16 =	simm.s32 $0x2020;
	[sflag:s8] =	ssyncadd.s32 $0xFFFFE000  }
.LBB2_4:
0x27: {  	v1 =	vld [tilespmem:s16+$0xFFFFFFE0];
	_ =	sdelay $0x2  }
0x28: {  	v2 =	vld [tilespmem:s15+$0xFFFFFFE0];
	_ =	sdelay $0x4  }
0x29: {  	[tilespmem:v1+s9+$0x0] =	vst.idx.add.f32.msk $0xffff, v2  }
0x2a: {  	v1 =	vld [tilespmem:s16+$0xFFFFFFF0];
	_ =	sdelay $0x2  }
0x2b: {  	v2 =	vld [tilespmem:s15+$0xFFFFFFF0];
	_ =	sdelay $0x4  }
0x2c: {  	[tilespmem:v1+s9+$0x0] =	vst.idx.add.f32.msk $0xffff, v2  }
0x2d: {  	v1 =	vld [tilespmem:s16+$0x0];
	_ =	sdelay $0x2  }
0x2e: {  	v2 =	vld [tilespmem:s15+$0x0];
	_ =	sdelay $0x4  }
0x2f: {  	[tilespmem:v1+s9+$0x0] =	vst.idx.add.f32.msk $0xffff, v2  }
0x30: {  	v1 =	vld [tilespmem:s16+$0x10];
	_ =	sdelay $0x1  }
0x31: {  	s14 =	sadd.s32 $0x4, s14  }
0x32: {  	p0 =	slt.u32 s14, $0x1FC;
	v2 =	vld [tilespmem:s15+$0x10]  }
.Ltmp1:
0x33: {  	_ = 	snop;
	(pc) =	sbr.rel @p0 .LBB2_4-.Ltmp1, $2  }
0x34: {  	_ =	sdelay $0x2  }
0x35: {  	s15 =	sadd.s32 $0x40, s15;
	s16 =	sadd.s32 $0x40, s16;
	[tilespmem:v1+s9+$0x0] =	vst.idx.add.f32.msk $0xffff, v2  }
0x36: {  	s13 =	sadd.s32 $0x1, s13  }
0x37: {  	p0 =	sne.s32 s13, s6  }
.Ltmp2:
0x38: {  	_ = 	snop;
	(pc) =	sbr.rel @p0 .LBB2_1-.Ltmp2, $4  }
0x39: {  	[hbm4b:s5+s10] =	stream.strided.scatter [tilespmem:s9], [sflag:$0x2], $0x1000, s11, s10, $0x38;
	[tilespmem:$0x5000] =	vst v63  }
0x3a: {  	_ =	swait.ge [sflag:s12], $0x1000  }
0x3b: {  	[sflag:s12] =	ssyncset.done $0x0  }
0x3c: {  	[sflag:s12] =	ssyncadd.s32 $0xFFFFF000  }
0x3d: {  	_ =	sfence.sel $0x180000  }
0x3e: {  	[bflag:$0x0] =	sbarrier.arrive $0xFFFF  }
0x3f: {  	p0 =	sne.s32 s1, $0x0;
	_ =	strace $0x9000004A  }
0x40: {  	s0 =	sadd.s32 @!p0 $0x100000, s0;
	[bflag:$0x2] =	sbarrier.arrive $0xFFFF  }
0x41: {  	[sflag:s0] =	ssyncadd.tile.s32 @!p0 $0x1;
	_ =	shalt  }
.Lfunc_end2:
_tile_overlayer_lowered:
.L_overlay_start_2:
0x42: {  	(tag) =	ssettag $0x2  }
0x43: {  	s0 =	rddreg [dreg:$0x0];
	s2 =	stileid.u32  }
0x44: {  	s1 =	rddreg [dreg:$0x1];
	p0 =	sne.s32 s2, $0x0  }
0x45: {  	s3 =	rddreg [dreg:$0x2];
	[bflag:$0x3] =	sbarrier.arrive $0xFFFF;
	s2 =	simm.s32 @!p0 $0x1C02  }
0x46: {  	[timem:s3], [sflag:s2] =	dma.local @!p0 [hbm:s0], s1  }
0x47: {  	s0 =	simm.s32 @!p0 $0x2  }
0x48: {  	_ =	swait.ge @!p0 [sflag:s0], s1  }
0x49: {  	s1 =	ssub.s32 @!p0 $0x0, s1;
	[sflag:s0] =	ssyncset.done @!p0 $0x0  }
0x4a: {  	[sflag:s0] =	ssyncadd.s32 @!p0 s1  }
0x4b: {  	[bflag:$0x3] =	sbarrier.arrive $0xFFFF  }
0x4c: {  	_ =	shalt  }

</sc_bundles>
